<compile_context>
chip_gen: v7x
topology: tpu7x:2x2x1
jax: 0.10.2.dev20260603
libtpu: 0.0.44.dev20260713+nightly
codegen_flags: <defaults>
</compile_context>

<pallas_src>
import functools

import jax
import jax.numpy as jnp
from jax import lax
from jax.experimental import pallas as pl
from jax.experimental.pallas import tpu as pltpu
from jax.experimental.pallas import tpu_sc as plsc

N = 1_000_000
L = 16
NC = 2
NS = 16
NW = NC * NS
VECS = N // L
BASE_VECS = VECS // NW
REM = VECS - NW * BASE_VECS
U = 4
PAD_VECS = 1956
PIECES = (244, 244, 244, 244, 244, 244, 244, 248)
BUF = PAD_VECS * L

_mesh = plsc.VectorSubcoreMesh(core_axis_name="c", subcore_axis_name="s")


@functools.partial(
    pl.kernel,
    mesh=_mesh,
    out_type=jax.ShapeDtypeStruct((NW, 2 * L), jnp.float32),
    scratch_types=[
        pltpu.VMEM((BUF,), jnp.float32),
        pltpu.VMEM((2 * L,), jnp.float32),
    ] + [pltpu.SemaphoreType.DMA] * (len(PIECES) + 1),
)
def _margin_partials(score_hbm, out_hbm, buf, stage, *sems):
    c = lax.axis_index("c")
    s = lax.axis_index("s")
    wid = s * NC + c
    base_vec = wid * BASE_VECS + jnp.minimum(wid, REM)
    base = base_vec * L

    copies = []
    lo = 0
    for k, nvec in enumerate(PIECES):
        real = min(BASE_VECS, lo + nvec) - lo
        copies.append(
            pltpu.async_copy(
                score_hbm.at[pl.ds(base + lo * L, real * L)],
                buf.at[pl.ds(lo * L, real * L)],
                sems[k],
            )
        )
        lo += nvec

    extra_src = score_hbm.at[pl.ds(base + BASE_VECS * L, L)]
    extra_dst = buf.at[pl.ds(BASE_VECS * L, L)]

    @pl.when(wid < REM)
    def _():
        pltpu.async_copy(extra_src, extra_dst, sems[len(PIECES)])

    zf = jnp.zeros((L,), jnp.float32)
    for pad_vec in range(BASE_VECS + 1, PAD_VECS):
        buf[pl.ds(pad_vec * L, L)] = zf

    @pl.when(wid >= REM)
    def _():
        buf[pl.ds(BASE_VECS * L, L)] = zf

    def piece(lo, hi, carry):
        @plsc.parallel_loop(lo, hi, step=U, unroll=2, carry=carry)
        def body(i, accs):
            vss = list(accs[:U])
            vcs = list(accs[U:])
            for u in range(U):
                v = buf[pl.ds((i + u) * L, L)]
                vss[u] = vss[u] + jnp.minimum(v, 0.0)
                vcs[u] = vcs[u] + jnp.where(v < 0.0, 1.0, 0.0)
            return (*vss, *vcs)

        return body

    accs = (zf,) * (2 * U)
    lo = 0
    for k, nvec in enumerate(PIECES):
        copies[k].wait()
        if lo + nvec >= BASE_VECS:
            @pl.when(wid < REM)
            def _():
                pltpu.make_async_copy(extra_src, extra_dst, sems[len(PIECES)]).wait()

        accs = piece(lo, lo + nvec, accs)
        lo += nvec

    vs = (accs[0] + accs[1]) + (accs[2] + accs[3])
    vc = (accs[4] + accs[5]) + (accs[6] + accs[7])

    stage[pl.ds(0, L)] = vs
    stage[pl.ds(L, L)] = vc
    pltpu.sync_copy(stage, out_hbm.at[wid])


def kernel(preds, lables, score):
    out = _margin_partials(score)
    total = jnp.sum(out[:, :L])
    count = jnp.sum(out[:, L:])
    return total / count

# --- scband reference (transcript-rebuilt; emitter-appended) ---
"""Pipeline reference for scband-nll-margin-loss-7670811590924 (READ-ONLY COPY).

The authoritative reference and input builder live on the scoring server;
editing this copy changes nothing except your own understanding.
"""

import jax, jax.numpy as jnp
import numpy as np

N = 1000000
C = 64

def setup_inputs(seed: int = 0) -> dict:
    key = jax.random.key(seed)
    k1, k2, k3 = jax.random.split(key, 3)
    preds = jax.nn.log_softmax(jax.random.normal(k1, (N, C), dtype=jnp.float32), axis=-1)
    lables = jax.random.randint(k2, (N,), 0, C, dtype=jnp.int64)
    score = jax.random.normal(k3, (N,), dtype=jnp.float32)
    return {"preds": preds, "lables": lables, "score": score}

def reference(preds, lables, score):
    # Faithful translation of NLL_margin_loss.forward.
    # indices = nonzero(score < 0); margin_loss = sum(score[indices]) / len(indices)
    mask = score < 0
    n_neg = jnp.sum(mask).astype(jnp.float32)
    weight_margin = 1.0
    margin_loss = weight_margin * (jnp.sum(jnp.where(mask, score, 0.0)) / n_neg)
    # NLL = F.nll_loss(preds, labels) -- computed in the original (mean of -preds[i, labels[i]])
    # but NOT returned; the module returns only margin_loss.
    nll = -jnp.mean(jnp.take_along_axis(preds, lables[:, None], axis=1).squeeze(-1))
    _ = nll
    return margin_loss

if __name__ == "__main__":
    import jax
    _d = setup_inputs()
    print(jax.jit(kernel)(*tuple(_d.values())))

</pallas_src>

<mosaic_0001>
#map = affine_map<(d0, d1) -> (0)>
#map1 = affine_map<(d0, d1) -> (0, 0)>
module attributes {stable_mosaic.version = 14 : i64} {
  func.func @_margin_partials(%arg0: i32, %arg1: i32, %arg2: memref<1000000xf32, #tpu.memory_space<hbm>>, %arg3: memref<32x32xf32, #tpu.memory_space<hbm>>, %arg4: memref<31296xf32, #tpu.memory_space<vmem>>, %arg5: memref<32xf32, #tpu.memory_space<vmem>>, %arg6: memref<!tpu.dma_semaphore, #tpu.memory_space<semaphore_mem>>, %arg7: memref<!tpu.dma_semaphore, #tpu.memory_space<semaphore_mem>>, %arg8: memref<!tpu.dma_semaphore, #tpu.memory_space<semaphore_mem>>, %arg9: memref<!tpu.dma_semaphore, #tpu.memory_space<semaphore_mem>>, %arg10: memref<!tpu.dma_semaphore, #tpu.memory_space<semaphore_mem>>, %arg11: memref<!tpu.dma_semaphore, #tpu.memory_space<semaphore_mem>>, %arg12: memref<!tpu.dma_semaphore, #tpu.memory_space<semaphore_mem>>, %arg13: memref<!tpu.dma_semaphore, #tpu.memory_space<semaphore_mem>>, %arg14: memref<!tpu.dma_semaphore, #tpu.memory_space<semaphore_mem>>) attributes {dimension_semantics = [#tpu.dimension_semantics<core_parallel>, #tpu.dimension_semantics<subcore_parallel>], iteration_bounds = array<i64: 2, 16>, scalar_prefetch = 0 : i64, scratch_operands = 11 : i64, tpu.core_type = #tpu.core_type<sc_vector_subcore>, window_params = [{transform_indices = #map}, {transform_indices = #map1}]} {
    %mul3A = arith.constant 2 : i32
    %mul3A_0 = arith.muli %arg1, %mul3A : i32
    %add3A = arith.addi %mul3A_0, %arg0 : i32
    %mul3A_1 = arith.constant 1953 : i32
    %mul3A_2 = arith.muli %add3A, %mul3A_1 : i32
    %min3A = arith.constant 4 : i32
    %min3A_3 = arith.minsi %add3A, %min3A : i32
    %add3A_4 = arith.addi %mul3A_2, %min3A_3 : i32
    %mul3A_5 = arith.constant 16 : i32
    %mul3A_6 = arith.muli %add3A_4, %mul3A_5 : i32
    %add3A_7 = arith.constant 0 : i32
    %add3A_8 = arith.addi %mul3A_6, %add3A_7 : i32
    %dma_start3A = arith.constant 0 : i32
    %dma_start3A_9 = tpu.memref_slice %arg4[%dma_start3A] : memref<31296xf32, #tpu.memory_space<vmem>> -> memref<3904xf32, #tpu.memory_space<vmem>>
    %dma_start3A_10 = tpu.memref_slice %arg2[%add3A_8] : memref<1000000xf32, #tpu.memory_space<hbm>> -> memref<3904xf32, #tpu.memory_space<hbm>>
    %dma_start3A_11 = arith.constant 0 : i32
    %dma_start3A_12 = tpu.memref_slice %arg4[%dma_start3A_11] : memref<31296xf32, #tpu.memory_space<vmem>> -> memref<3904xf32, #tpu.memory_space<vmem>>
    %dma_start3A_13 = tpu.memref_slice %arg2[%add3A_8] : memref<1000000xf32, #tpu.memory_space<hbm>> -> memref<3904xf32, #tpu.memory_space<hbm>>
    tpu.enqueue_dma source(%dma_start3A_13 : memref<3904xf32, #tpu.memory_space<hbm>>) target(%dma_start3A_12 : memref<3904xf32, #tpu.memory_space<vmem>>) target_semaphore(%arg6 : memref<!tpu.dma_semaphore, #tpu.memory_space<semaphore_mem>>)
    %add3A_14 = arith.constant 3904 : i32
    %add3A_15 = arith.addi %mul3A_6, %add3A_14 : i32
    %dma_start3A_16 = arith.constant 3904 : i32
    %dma_start3A_17 = tpu.memref_slice %arg4[%dma_start3A_16] : memref<31296xf32, #tpu.memory_space<vmem>> -> memref<3904xf32, #tpu.memory_space<vmem>>
    %dma_start3A_18 = tpu.memref_slice %arg2[%add3A_15] : memref<1000000xf32, #tpu.memory_space<hbm>> -> memref<3904xf32, #tpu.memory_space<hbm>>
    %dma_start3A_19 = arith.constant 3904 : i32
    %dma_start3A_20 = tpu.memref_slice %arg4[%dma_start3A_19] : memref<31296xf32, #tpu.memory_space<vmem>> -> memref<3904xf32, #tpu.memory_space<vmem>>
    %dma_start3A_21 = tpu.memref_slice %arg2[%add3A_15] : memref<1000000xf32, #tpu.memory_space<hbm>> -> memref<3904xf32, #tpu.memory_space<hbm>>
    tpu.enqueue_dma source(%dma_start3A_21 : memref<3904xf32, #tpu.memory_space<hbm>>) target(%dma_start3A_20 : memref<3904xf32, #tpu.memory_space<vmem>>) target_semaphore(%arg7 : memref<!tpu.dma_semaphore, #tpu.memory_space<semaphore_mem>>)
    %add3A_22 = arith.constant 7808 : i32
    %add3A_23 = arith.addi %mul3A_6, %add3A_22 : i32
    %dma_start3A_24 = arith.constant 7808 : i32
    %dma_start3A_25 = tpu.memref_slice %arg4[%dma_start3A_24] : memref<31296xf32, #tpu.memory_space<vmem>> -> memref<3904xf32, #tpu.memory_space<vmem>>
    %dma_start3A_26 = tpu.memref_slice %arg2[%add3A_23] : memref<1000000xf32, #tpu.memory_space<hbm>> -> memref<3904xf32, #tpu.memory_space<hbm>>
    %dma_start3A_27 = arith.constant 7808 : i32
    %dma_start3A_28 = tpu.memref_slice %arg4[%dma_start3A_27] : memref<31296xf32, #tpu.memory_space<vmem>> -> memref<3904xf32, #tpu.memory_space<vmem>>
    %dma_start3A_29 = tpu.memref_slice %arg2[%add3A_23] : memref<1000000xf32, #tpu.memory_space<hbm>> -> memref<3904xf32, #tpu.memory_space<hbm>>
    tpu.enqueue_dma source(%dma_start3A_29 : memref<3904xf32, #tpu.memory_space<hbm>>) target(%dma_start3A_28 : memref<3904xf32, #tpu.memory_space<vmem>>) target_semaphore(%arg8 : memref<!tpu.dma_semaphore, #tpu.memory_space<semaphore_mem>>)
    %add3A_30 = arith.constant 11712 : i32
    %add3A_31 = arith.addi %mul3A_6, %add3A_30 : i32
    %dma_start3A_32 = arith.constant 11712 : i32
    %dma_start3A_33 = tpu.memref_slice %arg4[%dma_start3A_32] : memref<31296xf32, #tpu.memory_space<vmem>> -> memref<3904xf32, #tpu.memory_space<vmem>>
    %dma_start3A_34 = tpu.memref_slice %arg2[%add3A_31] : memref<1000000xf32, #tpu.memory_space<hbm>> -> memref<3904xf32, #tpu.memory_space<hbm>>
    %dma_start3A_35 = arith.constant 11712 : i32
    %dma_start3A_36 = tpu.memref_slice %arg4[%dma_start3A_35] : memref<31296xf32, #tpu.memory_space<vmem>> -> memref<3904xf32, #tpu.memory_space<vmem>>
    %dma_start3A_37 = tpu.memref_slice %arg2[%add3A_31] : memref<1000000xf32, #tpu.memory_space<hbm>> -> memref<3904xf32, #tpu.memory_space<hbm>>
    tpu.enqueue_dma source(%dma_start3A_37 : memref<3904xf32, #tpu.memory_space<hbm>>) target(%dma_start3A_36 : memref<3904xf32, #tpu.memory_space<vmem>>) target_semaphore(%arg9 : memref<!tpu.dma_semaphore, #tpu.memory_space<semaphore_mem>>)
    %add3A_38 = arith.constant 15616 : i32
    %add3A_39 = arith.addi %mul3A_6, %add3A_38 : i32
    %dma_start3A_40 = arith.constant 15616 : i32
    %dma_start3A_41 = tpu.memref_slice %arg4[%dma_start3A_40] : memref<31296xf32, #tpu.memory_space<vmem>> -> memref<3904xf32, #tpu.memory_space<vmem>>
    %dma_start3A_42 = tpu.memref_slice %arg2[%add3A_39] : memref<1000000xf32, #tpu.memory_space<hbm>> -> memref<3904xf32, #tpu.memory_space<hbm>>
    %dma_start3A_43 = arith.constant 15616 : i32
    %dma_start3A_44 = tpu.memref_slice %arg4[%dma_start3A_43] : memref<31296xf32, #tpu.memory_space<vmem>> -> memref<3904xf32, #tpu.memory_space<vmem>>
    %dma_start3A_45 = tpu.memref_slice %arg2[%add3A_39] : memref<1000000xf32, #tpu.memory_space<hbm>> -> memref<3904xf32, #tpu.memory_space<hbm>>
    tpu.enqueue_dma source(%dma_start3A_45 : memref<3904xf32, #tpu.memory_space<hbm>>) target(%dma_start3A_44 : memref<3904xf32, #tpu.memory_space<vmem>>) target_semaphore(%arg10 : memref<!tpu.dma_semaphore, #tpu.memory_space<semaphore_mem>>)
    %add3A_46 = arith.constant 19520 : i32
    %add3A_47 = arith.addi %mul3A_6, %add3A_46 : i32
    %dma_start3A_48 = arith.constant 19520 : i32
    %dma_start3A_49 = tpu.memref_slice %arg4[%dma_start3A_48] : memref<31296xf32, #tpu.memory_space<vmem>> -> memref<3904xf32, #tpu.memory_space<vmem>>
    %dma_start3A_50 = tpu.memref_slice %arg2[%add3A_47] : memref<1000000xf32, #tpu.memory_space<hbm>> -> memref<3904xf32, #tpu.memory_space<hbm>>
    %dma_start3A_51 = arith.constant 19520 : i32
    %dma_start3A_52 = tpu.memref_slice %arg4[%dma_start3A_51] : memref<31296xf32, #tpu.memory_space<vmem>> -> memref<3904xf32, #tpu.memory_space<vmem>>
    %dma_start3A_53 = tpu.memref_slice %arg2[%add3A_47] : memref<1000000xf32, #tpu.memory_space<hbm>> -> memref<3904xf32, #tpu.memory_space<hbm>>
    tpu.enqueue_dma source(%dma_start3A_53 : memref<3904xf32, #tpu.memory_space<hbm>>) target(%dma_start3A_52 : memref<3904xf32, #tpu.memory_space<vmem>>) target_semaphore(%arg11 : memref<!tpu.dma_semaphore, #tpu.memory_space<semaphore_mem>>)
    %add3A_54 = arith.constant 23424 : i32
    %add3A_55 = arith.addi %mul3A_6, %add3A_54 : i32
    %dma_start3A_56 = arith.constant 23424 : i32
    %dma_start3A_57 = tpu.memref_slice %arg4[%dma_start3A_56] : memref<31296xf32, #tpu.memory_space<vmem>> -> memref<3904xf32, #tpu.memory_space<vmem>>
    %dma_start3A_58 = tpu.memref_slice %arg2[%add3A_55] : memref<1000000xf32, #tpu.memory_space<hbm>> -> memref<3904xf32, #tpu.memory_space<hbm>>
    %dma_start3A_59 = arith.constant 23424 : i32
    %dma_start3A_60 = tpu.memref_slice %arg4[%dma_start3A_59] : memref<31296xf32, #tpu.memory_space<vmem>> -> memref<3904xf32, #tpu.memory_space<vmem>>
    %dma_start3A_61 = tpu.memref_slice %arg2[%add3A_55] : memref<1000000xf32, #tpu.memory_space<hbm>> -> memref<3904xf32, #tpu.memory_space<hbm>>
    tpu.enqueue_dma source(%dma_start3A_61 : memref<3904xf32, #tpu.memory_space<hbm>>) target(%dma_start3A_60 : memref<3904xf32, #tpu.memory_space<vmem>>) target_semaphore(%arg12 : memref<!tpu.dma_semaphore, #tpu.memory_space<semaphore_mem>>)
    %add3A_62 = arith.constant 27328 : i32
    %add3A_63 = arith.addi %mul3A_6, %add3A_62 : i32
    %dma_start3A_64 = arith.constant 27328 : i32
    %dma_start3A_65 = tpu.memref_slice %arg4[%dma_start3A_64] : memref<31296xf32, #tpu.memory_space<vmem>> -> memref<3920xf32, #tpu.memory_space<vmem>>
    %dma_start3A_66 = tpu.memref_slice %arg2[%add3A_63] : memref<1000000xf32, #tpu.memory_space<hbm>> -> memref<3920xf32, #tpu.memory_space<hbm>>
    %dma_start3A_67 = arith.constant 27328 : i32
    %dma_start3A_68 = tpu.memref_slice %arg4[%dma_start3A_67] : memref<31296xf32, #tpu.memory_space<vmem>> -> memref<3920xf32, #tpu.memory_space<vmem>>
    %dma_start3A_69 = tpu.memref_slice %arg2[%add3A_63] : memref<1000000xf32, #tpu.memory_space<hbm>> -> memref<3920xf32, #tpu.memory_space<hbm>>
    tpu.enqueue_dma source(%dma_start3A_69 : memref<3920xf32, #tpu.memory_space<hbm>>) target(%dma_start3A_68 : memref<3920xf32, #tpu.memory_space<vmem>>) target_semaphore(%arg13 : memref<!tpu.dma_semaphore, #tpu.memory_space<semaphore_mem>>)
    %add3A_70 = arith.constant 31248 : i32
    %add3A_71 = arith.addi %mul3A_6, %add3A_70 : i32
    %lt3A = arith.constant 4 : i32
    %lt3A_72 = arith.cmpi slt, %add3A, %lt3A : i32
    %convert_element_type3A = arith.extui %lt3A_72 : i1 to i32
    %cond3A = arith.constant 0 : i32
    %cond3A_73 = arith.cmpi ne, %convert_element_type3A, %cond3A : i32
    scf.if %cond3A_73 {
      %dma_start3A_183 = arith.constant 31248 : i32
      %dma_start3A_184 = tpu.memref_slice %arg4[%dma_start3A_183] : memref<31296xf32, #tpu.memory_space<vmem>> -> memref<16xf32, #tpu.memory_space<vmem>>
      %dma_start3A_185 = tpu.memref_slice %arg2[%add3A_71] : memref<1000000xf32, #tpu.memory_space<hbm>> -> memref<16xf32, #tpu.memory_space<hbm>>
      %dma_start3A_186 = arith.constant 31248 : i32
      %dma_start3A_187 = tpu.memref_slice %arg4[%dma_start3A_186] : memref<31296xf32, #tpu.memory_space<vmem>> -> memref<16xf32, #tpu.memory_space<vmem>>
      %dma_start3A_188 = tpu.memref_slice %arg2[%add3A_71] : memref<1000000xf32, #tpu.memory_space<hbm>> -> memref<16xf32, #tpu.memory_space<hbm>>
      tpu.enqueue_dma source(%dma_start3A_188 : memref<16xf32, #tpu.memory_space<hbm>>) target(%dma_start3A_187 : memref<16xf32, #tpu.memory_space<vmem>>) target_semaphore(%arg14 : memref<!tpu.dma_semaphore, #tpu.memory_space<semaphore_mem>>)
    } else {
    }
    %broadcast_in_dim3A = arith.constant 0.000000e+00 : f32
    %broadcast_in_dim3A_74 = vector.broadcast %broadcast_in_dim3A : f32 to vector<16xf32>
    %swap3A = arith.constant 31264 : index
    %swap3A_75 = tpu.vector_load %arg4[%swap3A] {strides = array<i32>} : memref<31296xf32, #tpu.memory_space<vmem>>, vector<16xf32>,
    %swap3A_76 = vector.shape_cast %swap3A_75 : vector<16xf32> to vector<16xf32>
    %swap3A_77 = vector.shape_cast %broadcast_in_dim3A_74 : vector<16xf32> to vector<16xf32>
    tpu.vector_store %arg4[%swap3A], %swap3A_77 {strides = array<i32>} : memref<31296xf32, #tpu.memory_space<vmem>>, vector<16xf32>,
    %swap3A_78 = arith.constant 31280 : index
    %swap3A_79 = tpu.vector_load %arg4[%swap3A_78] {strides = array<i32>} : memref<31296xf32, #tpu.memory_space<vmem>>, vector<16xf32>,
    %swap3A_80 = vector.shape_cast %swap3A_79 : vector<16xf32> to vector<16xf32>
    %swap3A_81 = vector.shape_cast %broadcast_in_dim3A_74 : vector<16xf32> to vector<16xf32>
    tpu.vector_store %arg4[%swap3A_78], %swap3A_81 {strides = array<i32>} : memref<31296xf32, #tpu.memory_space<vmem>>, vector<16xf32>,
    %ge3A = arith.constant 4 : i32
    %ge3A_82 = arith.cmpi sge, %add3A, %ge3A : i32
    %convert_element_type3A_83 = arith.extui %ge3A_82 : i1 to i32
    %cond3A_84 = arith.constant 0 : i32
    %cond3A_85 = arith.cmpi ne, %convert_element_type3A_83, %cond3A_84 : i32
    scf.if %cond3A_85 {
      %swap3A_183 = arith.constant 31248 : index
      %swap3A_184 = tpu.vector_load %arg4[%swap3A_183] {strides = array<i32>} : memref<31296xf32, #tpu.memory_space<vmem>>, vector<16xf32>,
      %swap3A_185 = vector.shape_cast %swap3A_184 : vector<16xf32> to vector<16xf32>
      %swap3A_186 = vector.shape_cast %broadcast_in_dim3A_74 : vector<16xf32> to vector<16xf32>
      tpu.vector_store %arg4[%swap3A_183], %swap3A_186 {strides = array<i32>} : memref<31296xf32, #tpu.memory_space<vmem>>, vector<16xf32>,
    } else {
    }
    %dma_wait3A = arith.constant 0 : i32
    %dma_wait3A_86 = tpu.memref_slice %arg4[%dma_wait3A] : memref<31296xf32, #tpu.memory_space<vmem>> -> memref<3904xf32, #tpu.memory_space<vmem>>
    %dma_wait3A_87 = tpu.memref_slice %arg2[%add3A_8] : memref<1000000xf32, #tpu.memory_space<hbm>> -> memref<3904xf32, #tpu.memory_space<hbm>>
    %dma_wait3A_88 = arith.constant 0 : i32
    %dma_wait3A_89 = tpu.memref_slice %arg4[%dma_wait3A_88] : memref<31296xf32, #tpu.memory_space<vmem>> -> memref<3904xf32, #tpu.memory_space<vmem>>
    %dma_wait3A_90 = tpu.memref_slice %arg2[%add3A_8] : memref<1000000xf32, #tpu.memory_space<hbm>> -> memref<3904xf32, #tpu.memory_space<hbm>>
    tpu.wait_dma2 semaphore(%arg6 : memref<!tpu.dma_semaphore, #tpu.memory_space<semaphore_mem>>) src(%dma_wait3A_90 : memref<3904xf32, #tpu.memory_space<hbm>>) dst(%dma_wait3A_89 : memref<3904xf32, #tpu.memory_space<vmem>>)
    %parallel_loop3A = arith.constant 0 : i32
    %parallel_loop3A_91 = arith.constant 244 : i32
    %parallel_loop3A_92 = arith.constant 4 : i32
    %parallel_loop3A_93:8 = scf.for %parallel_loop3A_183 = %parallel_loop3A to %parallel_loop3A_91 step %parallel_loop3A_92 iter_args(%parallel_loop3A_184 = %broadcast_in_dim3A_74, %parallel_loop3A_185 = %broadcast_in_dim3A_74, %parallel_loop3A_186 = %broadcast_in_dim3A_74, %parallel_loop3A_187 = %broadcast_in_dim3A_74, %parallel_loop3A_188 = %broadcast_in_dim3A_74, %parallel_loop3A_189 = %broadcast_in_dim3A_74, %parallel_loop3A_190 = %broadcast_in_dim3A_74, %parallel_loop3A_191 = %broadcast_in_dim3A_74) -> (vector<16xf32>, vector<16xf32>, vector<16xf32>, vector<16xf32>, vector<16xf32>, vector<16xf32>, vector<16xf32>, vector<16xf32>)  : i32 {
      %parallel_loop3A_192 = arith.constant 0 : i32
      %parallel_loop3A_193 = arith.addi %parallel_loop3A_183, %parallel_loop3A_192 : i32
      %parallel_loop3A_194 = arith.constant 16 : i32
      %parallel_loop3A_195 = arith.muli %parallel_loop3A_193, %parallel_loop3A_194 : i32
      %parallel_loop3A_196 = arith.index_cast %parallel_loop3A_195 : i32 to index
      %parallel_loop3A_197 = tpu.vector_load %arg4[%parallel_loop3A_196] {strides = array<i32>} : memref<31296xf32, #tpu.memory_space<vmem>>, vector<16xf32>,
      %parallel_loop3A_198 = vector.shape_cast %parallel_loop3A_197 : vector<16xf32> to vector<16xf32>
      %parallel_loop3A_199 = arith.constant 0.000000e+00 : f32
      %parallel_loop3A_200 = vector.broadcast %parallel_loop3A_199 : f32 to vector<16xf32>
      %parallel_loop3A_201 = arith.minimumf %parallel_loop3A_198, %parallel_loop3A_200 : vector<16xf32>
      %parallel_loop3A_202 = arith.addf %parallel_loop3A_184, %parallel_loop3A_201 : vector<16xf32>
      %parallel_loop3A_203 = arith.constant 0.000000e+00 : f32
      %parallel_loop3A_204 = vector.broadcast %parallel_loop3A_203 : f32 to vector<16xf32>
      %parallel_loop3A_205 = arith.cmpf olt, %parallel_loop3A_198, %parallel_loop3A_204 : vector<16xf32>
      %parallel_loop3A_206 = arith.constant 1.000000e+00 : f32
      %parallel_loop3A_207 = arith.constant 0.000000e+00 : f32
      %parallel_loop3A_208 = vector.broadcast %parallel_loop3A_206 : f32 to vector<16xf32>
      %parallel_loop3A_209 = vector.broadcast %parallel_loop3A_207 : f32 to vector<16xf32>
      %parallel_loop3A_210 = arith.select %parallel_loop3A_205, %parallel_loop3A_208, %parallel_loop3A_209 : vector<16xi1>, vector<16xf32>
      %parallel_loop3A_211 = arith.addf %parallel_loop3A_188, %parallel_loop3A_210 : vector<16xf32>
      %parallel_loop3A_212 = arith.constant 1 : i32
      %parallel_loop3A_213 = arith.addi %parallel_loop3A_183, %parallel_loop3A_212 : i32
      %parallel_loop3A_214 = arith.constant 16 : i32
      %parallel_loop3A_215 = arith.muli %parallel_loop3A_213, %parallel_loop3A_214 : i32
      %parallel_loop3A_216 = arith.index_cast %parallel_loop3A_215 : i32 to index
      %parallel_loop3A_217 = tpu.vector_load %arg4[%parallel_loop3A_216] {strides = array<i32>} : memref<31296xf32, #tpu.memory_space<vmem>>, vector<16xf32>,
      %parallel_loop3A_218 = vector.shape_cast %parallel_loop3A_217 : vector<16xf32> to vector<16xf32>
      %parallel_loop3A_219 = arith.constant 0.000000e+00 : f32
      %parallel_loop3A_220 = vector.broadcast %parallel_loop3A_219 : f32 to vector<16xf32>
      %parallel_loop3A_221 = arith.minimumf %parallel_loop3A_218, %parallel_loop3A_220 : vector<16xf32>
      %parallel_loop3A_222 = arith.addf %parallel_loop3A_185, %parallel_loop3A_221 : vector<16xf32>
      %parallel_loop3A_223 = arith.constant 0.000000e+00 : f32
      %parallel_loop3A_224 = vector.broadcast %parallel_loop3A_223 : f32 to vector<16xf32>
      %parallel_loop3A_225 = arith.cmpf olt, %parallel_loop3A_218, %parallel_loop3A_224 : vector<16xf32>
      %parallel_loop3A_226 = arith.constant 1.000000e+00 : f32
      %parallel_loop3A_227 = arith.constant 0.000000e+00 : f32
      %parallel_loop3A_228 = vector.broadcast %parallel_loop3A_226 : f32 to vector<16xf32>
      %parallel_loop3A_229 = vector.broadcast %parallel_loop3A_227 : f32 to vector<16xf32>
      %parallel_loop3A_230 = arith.select %parallel_loop3A_225, %parallel_loop3A_228, %parallel_loop3A_229 : vector<16xi1>, vector<16xf32>
      %parallel_loop3A_231 = arith.addf %parallel_loop3A_189, %parallel_loop3A_230 : vector<16xf32>
      %parallel_loop3A_232 = arith.constant 2 : i32
      %parallel_loop3A_233 = arith.addi %parallel_loop3A_183, %parallel_loop3A_232 : i32
      %parallel_loop3A_234 = arith.constant 16 : i32
      %parallel_loop3A_235 = arith.muli %parallel_loop3A_233, %parallel_loop3A_234 : i32
      %parallel_loop3A_236 = arith.index_cast %parallel_loop3A_235 : i32 to index
      %parallel_loop3A_237 = tpu.vector_load %arg4[%parallel_loop3A_236] {strides = array<i32>} : memref<31296xf32, #tpu.memory_space<vmem>>, vector<16xf32>,
      %parallel_loop3A_238 = vector.shape_cast %parallel_loop3A_237 : vector<16xf32> to vector<16xf32>
      %parallel_loop3A_239 = arith.constant 0.000000e+00 : f32
      %parallel_loop3A_240 = vector.broadcast %parallel_loop3A_239 : f32 to vector<16xf32>
      %parallel_loop3A_241 = arith.minimumf %parallel_loop3A_238, %parallel_loop3A_240 : vector<16xf32>
      %parallel_loop3A_242 = arith.addf %parallel_loop3A_186, %parallel_loop3A_241 : vector<16xf32>
      %parallel_loop3A_243 = arith.constant 0.000000e+00 : f32
      %parallel_loop3A_244 = vector.broadcast %parallel_loop3A_243 : f32 to vector<16xf32>
      %parallel_loop3A_245 = arith.cmpf olt, %parallel_loop3A_238, %parallel_loop3A_244 : vector<16xf32>
      %parallel_loop3A_246 = arith.constant 1.000000e+00 : f32
      %parallel_loop3A_247 = arith.constant 0.000000e+00 : f32
      %parallel_loop3A_248 = vector.broadcast %parallel_loop3A_246 : f32 to vector<16xf32>
      %parallel_loop3A_249 = vector.broadcast %parallel_loop3A_247 : f32 to vector<16xf32>
      %parallel_loop3A_250 = arith.select %parallel_loop3A_245, %parallel_loop3A_248, %parallel_loop3A_249 : vector<16xi1>, vector<16xf32>
      %parallel_loop3A_251 = arith.addf %parallel_loop3A_190, %parallel_loop3A_250 : vector<16xf32>
      %parallel_loop3A_252 = arith.constant 3 : i32
      %parallel_loop3A_253 = arith.addi %parallel_loop3A_183, %parallel_loop3A_252 : i32
      %parallel_loop3A_254 = arith.constant 16 : i32
      %parallel_loop3A_255 = arith.muli %parallel_loop3A_253, %parallel_loop3A_254 : i32
      %parallel_loop3A_256 = arith.index_cast %parallel_loop3A_255 : i32 to index
      %parallel_loop3A_257 = tpu.vector_load %arg4[%parallel_loop3A_256] {strides = array<i32>} : memref<31296xf32, #tpu.memory_space<vmem>>, vector<16xf32>,
      %parallel_loop3A_258 = vector.shape_cast %parallel_loop3A_257 : vector<16xf32> to vector<16xf32>
      %parallel_loop3A_259 = arith.constant 0.000000e+00 : f32
      %parallel_loop3A_260 = vector.broadcast %parallel_loop3A_259 : f32 to vector<16xf32>
      %parallel_loop3A_261 = arith.minimumf %parallel_loop3A_258, %parallel_loop3A_260 : vector<16xf32>
      %parallel_loop3A_262 = arith.addf %parallel_loop3A_187, %parallel_loop3A_261 : vector<16xf32>
      %parallel_loop3A_263 = arith.constant 0.000000e+00 : f32
      %parallel_loop3A_264 = vector.broadcast %parallel_loop3A_263 : f32 to vector<16xf32>
      %parallel_loop3A_265 = arith.cmpf olt, %parallel_loop3A_258, %parallel_loop3A_264 : vector<16xf32>
      %parallel_loop3A_266 = arith.constant 1.000000e+00 : f32
      %parallel_loop3A_267 = arith.constant 0.000000e+00 : f32
      %parallel_loop3A_268 = vector.broadcast %parallel_loop3A_266 : f32 to vector<16xf32>
      %parallel_loop3A_269 = vector.broadcast %parallel_loop3A_267 : f32 to vector<16xf32>
      %parallel_loop3A_270 = arith.select %parallel_loop3A_265, %parallel_loop3A_268, %parallel_loop3A_269 : vector<16xi1>, vector<16xf32>
      %parallel_loop3A_271 = arith.addf %parallel_loop3A_191, %parallel_loop3A_270 : vector<16xf32>
      scf.yield %parallel_loop3A_202, %parallel_loop3A_222, %parallel_loop3A_242, %parallel_loop3A_262, %parallel_loop3A_211, %parallel_loop3A_231, %parallel_loop3A_251, %parallel_loop3A_271 : vector<16xf32>, vector<16xf32>, vector<16xf32>, vector<16xf32>, vector<16xf32>, vector<16xf32>, vector<16xf32>, vector<16xf32>
    } {sc.loop_unroll_factor = 2 : i64, sc.parallel_access}
    %dma_wait3A_94 = arith.constant 3904 : i32
    %dma_wait3A_95 = tpu.memref_slice %arg4[%dma_wait3A_94] : memref<31296xf32, #tpu.memory_space<vmem>> -> memref<3904xf32, #tpu.memory_space<vmem>>
    %dma_wait3A_96 = tpu.memref_slice %arg2[%add3A_15] : memref<1000000xf32, #tpu.memory_space<hbm>> -> memref<3904xf32, #tpu.memory_space<hbm>>
    %dma_wait3A_97 = arith.constant 3904 : i32
    %dma_wait3A_98 = tpu.memref_slice %arg4[%dma_wait3A_97] : memref<31296xf32, #tpu.memory_space<vmem>> -> memref<3904xf32, #tpu.memory_space<vmem>>
    %dma_wait3A_99 = tpu.memref_slice %arg2[%add3A_15] : memref<1000000xf32, #tpu.memory_space<hbm>> -> memref<3904xf32, #tpu.memory_space<hbm>>
    tpu.wait_dma2 semaphore(%arg7 : memref<!tpu.dma_semaphore, #tpu.memory_space<semaphore_mem>>) src(%dma_wait3A_99 : memref<3904xf32, #tpu.memory_space<hbm>>) dst(%dma_wait3A_98 : memref<3904xf32, #tpu.memory_space<vmem>>)
    %parallel_loop3A_100 = arith.constant 244 : i32
    %parallel_loop3A_101 = arith.constant 488 : i32
    %parallel_loop3A_102 = arith.constant 4 : i32
    %parallel_loop3A_103:8 = scf.for %parallel_loop3A_183 = %parallel_loop3A_100 to %parallel_loop3A_101 step %parallel_loop3A_102 iter_args(%parallel_loop3A_184 = %parallel_loop3A_93#0, %parallel_loop3A_185 = %parallel_loop3A_93#1, %parallel_loop3A_186 = %parallel_loop3A_93#2, %parallel_loop3A_187 = %parallel_loop3A_93#3, %parallel_loop3A_188 = %parallel_loop3A_93#4, %parallel_loop3A_189 = %parallel_loop3A_93#5, %parallel_loop3A_190 = %parallel_loop3A_93#6, %parallel_loop3A_191 = %parallel_loop3A_93#7) -> (vector<16xf32>, vector<16xf32>, vector<16xf32>, vector<16xf32>, vector<16xf32>, vector<16xf32>, vector<16xf32>, vector<16xf32>)  : i32 {
      %parallel_loop3A_192 = arith.constant 0 : i32
      %parallel_loop3A_193 = arith.addi %parallel_loop3A_183, %parallel_loop3A_192 : i32
      %parallel_loop3A_194 = arith.constant 16 : i32
      %parallel_loop3A_195 = arith.muli %parallel_loop3A_193, %parallel_loop3A_194 : i32
      %parallel_loop3A_196 = arith.index_cast %parallel_loop3A_195 : i32 to index
      %parallel_loop3A_197 = tpu.vector_load %arg4[%parallel_loop3A_196] {strides = array<i32>} : memref<31296xf32, #tpu.memory_space<vmem>>, vector<16xf32>,
      %parallel_loop3A_198 = vector.shape_cast %parallel_loop3A_197 : vector<16xf32> to vector<16xf32>
      %parallel_loop3A_199 = arith.constant 0.000000e+00 : f32
      %parallel_loop3A_200 = vector.broadcast %parallel_loop3A_199 : f32 to vector<16xf32>
      %parallel_loop3A_201 = arith.minimumf %parallel_loop3A_198, %parallel_loop3A_200 : vector<16xf32>
      %parallel_loop3A_202 = arith.addf %parallel_loop3A_184, %parallel_loop3A_201 : vector<16xf32>
      %parallel_loop3A_203 = arith.constant 0.000000e+00 : f32
      %parallel_loop3A_204 = vector.broadcast %parallel_loop3A_203 : f32 to vector<16xf32>
      %parallel_loop3A_205 = arith.cmpf olt, %parallel_loop3A_198, %parallel_loop3A_204 : vector<16xf32>
      %parallel_loop3A_206 = arith.constant 1.000000e+00 : f32
      %parallel_loop3A_207 = arith.constant 0.000000e+00 : f32
      %parallel_loop3A_208 = vector.broadcast %parallel_loop3A_206 : f32 to vector<16xf32>
      %parallel_loop3A_209 = vector.broadcast %parallel_loop3A_207 : f32 to vector<16xf32>
      %parallel_loop3A_210 = arith.select %parallel_loop3A_205, %parallel_loop3A_208, %parallel_loop3A_209 : vector<16xi1>, vector<16xf32>
      %parallel_loop3A_211 = arith.addf %parallel_loop3A_188, %parallel_loop3A_210 : vector<16xf32>
      %parallel_loop3A_212 = arith.constant 1 : i32
      %parallel_loop3A_213 = arith.addi %parallel_loop3A_183, %parallel_loop3A_212 : i32
      %parallel_loop3A_214 = arith.constant 16 : i32
      %parallel_loop3A_215 = arith.muli %parallel_loop3A_213, %parallel_loop3A_214 : i32
      %parallel_loop3A_216 = arith.index_cast %parallel_loop3A_215 : i32 to index
      %parallel_loop3A_217 = tpu.vector_load %arg4[%parallel_loop3A_216] {strides = array<i32>} : memref<31296xf32, #tpu.memory_space<vmem>>, vector<16xf32>,
      %parallel_loop3A_218 = vector.shape_cast %parallel_loop3A_217 : vector<16xf32> to vector<16xf32>
      %parallel_loop3A_219 = arith.constant 0.000000e+00 : f32
      %parallel_loop3A_220 = vector.broadcast %parallel_loop3A_219 : f32 to vector<16xf32>
      %parallel_loop3A_221 = arith.minimumf %parallel_loop3A_218, %parallel_loop3A_220 : vector<16xf32>
      %parallel_loop3A_222 = arith.addf %parallel_loop3A_185, %parallel_loop3A_221 : vector<16xf32>
      %parallel_loop3A_223 = arith.constant 0.000000e+00 : f32
      %parallel_loop3A_224 = vector.broadcast %parallel_loop3A_223 : f32 to vector<16xf32>
      %parallel_loop3A_225 = arith.cmpf olt, %parallel_loop3A_218, %parallel_loop3A_224 : vector<16xf32>
      %parallel_loop3A_226 = arith.constant 1.000000e+00 : f32
      %parallel_loop3A_227 = arith.constant 0.000000e+00 : f32
      %parallel_loop3A_228 = vector.broadcast %parallel_loop3A_226 : f32 to vector<16xf32>
      %parallel_loop3A_229 = vector.broadcast %parallel_loop3A_227 : f32 to vector<16xf32>
      %parallel_loop3A_230 = arith.select %parallel_loop3A_225, %parallel_loop3A_228, %parallel_loop3A_229 : vector<16xi1>, vector<16xf32>
      %parallel_loop3A_231 = arith.addf %parallel_loop3A_189, %parallel_loop3A_230 : vector<16xf32>
      %parallel_loop3A_232 = arith.constant 2 : i32
      %parallel_loop3A_233 = arith.addi %parallel_loop3A_183, %parallel_loop3A_232 : i32
      %parallel_loop3A_234 = arith.constant 16 : i32
      %parallel_loop3A_235 = arith.muli %parallel_loop3A_233, %parallel_loop3A_234 : i32
      %parallel_loop3A_236 = arith.index_cast %parallel_loop3A_235 : i32 to index
      %parallel_loop3A_237 = tpu.vector_load %arg4[%parallel_loop3A_236] {strides = array<i32>} : memref<31296xf32, #tpu.memory_space<vmem>>, vector<16xf32>,
      %parallel_loop3A_238 = vector.shape_cast %parallel_loop3A_237 : vector<16xf32> to vector<16xf32>
      %parallel_loop3A_239 = arith.constant 0.000000e+00 : f32
      %parallel_loop3A_240 = vector.broadcast %parallel_loop3A_239 : f32 to vector<16xf32>
      %parallel_loop3A_241 = arith.minimumf %parallel_loop3A_238, %parallel_loop3A_240 : vector<16xf32>
      %parallel_loop3A_242 = arith.addf %parallel_loop3A_186, %parallel_loop3A_241 : vector<16xf32>
      %parallel_loop3A_243 = arith.constant 0.000000e+00 : f32
      %parallel_loop3A_244 = vector.broadcast %parallel_loop3A_243 : f32 to vector<16xf32>
      %parallel_loop3A_245 = arith.cmpf olt, %parallel_loop3A_238, %parallel_loop3A_244 : vector<16xf32>
      %parallel_loop3A_246 = arith.constant 1.000000e+00 : f32
      %parallel_loop3A_247 = arith.constant 0.000000e+00 : f32
      %parallel_loop3A_248 = vector.broadcast %parallel_loop3A_246 : f32 to vector<16xf32>
      %parallel_loop3A_249 = vector.broadcast %parallel_loop3A_247 : f32 to vector<16xf32>
      %parallel_loop3A_250 = arith.select %parallel_loop3A_245, %parallel_loop3A_248, %parallel_loop3A_249 : vector<16xi1>, vector<16xf32>
      %parallel_loop3A_251 = arith.addf %parallel_loop3A_190, %parallel_loop3A_250 : vector<16xf32>
      %parallel_loop3A_252 = arith.constant 3 : i32
      %parallel_loop3A_253 = arith.addi %parallel_loop3A_183, %parallel_loop3A_252 : i32
      %parallel_loop3A_254 = arith.constant 16 : i32
      %parallel_loop3A_255 = arith.muli %parallel_loop3A_253, %parallel_loop3A_254 : i32
      %parallel_loop3A_256 = arith.index_cast %parallel_loop3A_255 : i32 to index
      %parallel_loop3A_257 = tpu.vector_load %arg4[%parallel_loop3A_256] {strides = array<i32>} : memref<31296xf32, #tpu.memory_space<vmem>>, vector<16xf32>,
      %parallel_loop3A_258 = vector.shape_cast %parallel_loop3A_257 : vector<16xf32> to vector<16xf32>
      %parallel_loop3A_259 = arith.constant 0.000000e+00 : f32
      %parallel_loop3A_260 = vector.broadcast %parallel_loop3A_259 : f32 to vector<16xf32>
      %parallel_loop3A_261 = arith.minimumf %parallel_loop3A_258, %parallel_loop3A_260 : vector<16xf32>
      %parallel_loop3A_262 = arith.addf %parallel_loop3A_187, %parallel_loop3A_261 : vector<16xf32>
      %parallel_loop3A_263 = arith.constant 0.000000e+00 : f32
      %parallel_loop3A_264 = vector.broadcast %parallel_loop3A_263 : f32 to vector<16xf32>
      %parallel_loop3A_265 = arith.cmpf olt, %parallel_loop3A_258, %parallel_loop3A_264 : vector<16xf32>
      %parallel_loop3A_266 = arith.constant 1.000000e+00 : f32
      %parallel_loop3A_267 = arith.constant 0.000000e+00 : f32
      %parallel_loop3A_268 = vector.broadcast %parallel_loop3A_266 : f32 to vector<16xf32>
      %parallel_loop3A_269 = vector.broadcast %parallel_loop3A_267 : f32 to vector<16xf32>
      %parallel_loop3A_270 = arith.select %parallel_loop3A_265, %parallel_loop3A_268, %parallel_loop3A_269 : vector<16xi1>, vector<16xf32>
      %parallel_loop3A_271 = arith.addf %parallel_loop3A_191, %parallel_loop3A_270 : vector<16xf32>
      scf.yield %parallel_loop3A_202, %parallel_loop3A_222, %parallel_loop3A_242, %parallel_loop3A_262, %parallel_loop3A_211, %parallel_loop3A_231, %parallel_loop3A_251, %parallel_loop3A_271 : vector<16xf32>, vector<16xf32>, vector<16xf32>, vector<16xf32>, vector<16xf32>, vector<16xf32>, vector<16xf32>, vector<16xf32>
    } {sc.loop_unroll_factor = 2 : i64, sc.parallel_access}
    %dma_wait3A_104 = arith.constant 7808 : i32
    %dma_wait3A_105 = tpu.memref_slice %arg4[%dma_wait3A_104] : memref<31296xf32, #tpu.memory_space<vmem>> -> memref<3904xf32, #tpu.memory_space<vmem>>
    %dma_wait3A_106 = tpu.memref_slice %arg2[%add3A_23] : memref<1000000xf32, #tpu.memory_space<hbm>> -> memref<3904xf32, #tpu.memory_space<hbm>>
    %dma_wait3A_107 = arith.constant 7808 : i32
    %dma_wait3A_108 = tpu.memref_slice %arg4[%dma_wait3A_107] : memref<31296xf32, #tpu.memory_space<vmem>> -> memref<3904xf32, #tpu.memory_space<vmem>>
    %dma_wait3A_109 = tpu.memref_slice %arg2[%add3A_23] : memref<1000000xf32, #tpu.memory_space<hbm>> -> memref<3904xf32, #tpu.memory_space<hbm>>
    tpu.wait_dma2 semaphore(%arg8 : memref<!tpu.dma_semaphore, #tpu.memory_space<semaphore_mem>>) src(%dma_wait3A_109 : memref<3904xf32, #tpu.memory_space<hbm>>) dst(%dma_wait3A_108 : memref<3904xf32, #tpu.memory_space<vmem>>)
    %parallel_loop3A_110 = arith.constant 488 : i32
    %parallel_loop3A_111 = arith.constant 732 : i32
    %parallel_loop3A_112 = arith.constant 4 : i32
    %parallel_loop3A_113:8 = scf.for %parallel_loop3A_183 = %parallel_loop3A_110 to %parallel_loop3A_111 step %parallel_loop3A_112 iter_args(%parallel_loop3A_184 = %parallel_loop3A_103#0, %parallel_loop3A_185 = %parallel_loop3A_103#1, %parallel_loop3A_186 = %parallel_loop3A_103#2, %parallel_loop3A_187 = %parallel_loop3A_103#3, %parallel_loop3A_188 = %parallel_loop3A_103#4, %parallel_loop3A_189 = %parallel_loop3A_103#5, %parallel_loop3A_190 = %parallel_loop3A_103#6, %parallel_loop3A_191 = %parallel_loop3A_103#7) -> (vector<16xf32>, vector<16xf32>, vector<16xf32>, vector<16xf32>, vector<16xf32>, vector<16xf32>, vector<16xf32>, vector<16xf32>)  : i32 {
      %parallel_loop3A_192 = arith.constant 0 : i32
      %parallel_loop3A_193 = arith.addi %parallel_loop3A_183, %parallel_loop3A_192 : i32
      %parallel_loop3A_194 = arith.constant 16 : i32
      %parallel_loop3A_195 = arith.muli %parallel_loop3A_193, %parallel_loop3A_194 : i32
      %parallel_loop3A_196 = arith.index_cast %parallel_loop3A_195 : i32 to index
      %parallel_loop3A_197 = tpu.vector_load %arg4[%parallel_loop3A_196] {strides = array<i32>} : memref<31296xf32, #tpu.memory_space<vmem>>, vector<16xf32>,
      %parallel_loop3A_198 = vector.shape_cast %parallel_loop3A_197 : vector<16xf32> to vector<16xf32>
      %parallel_loop3A_199 = arith.constant 0.000000e+00 : f32
      %parallel_loop3A_200 = vector.broadcast %parallel_loop3A_199 : f32 to vector<16xf32>
      %parallel_loop3A_201 = arith.minimumf %parallel_loop3A_198, %parallel_loop3A_200 : vector<16xf32>
      %parallel_loop3A_202 = arith.addf %parallel_loop3A_184, %parallel_loop3A_201 : vector<16xf32>
      %parallel_loop3A_203 = arith.constant 0.000000e+00 : f32
      %parallel_loop3A_204 = vector.broadcast %parallel_loop3A_203 : f32 to vector<16xf32>
      %parallel_loop3A_205 = arith.cmpf olt, %parallel_loop3A_198, %parallel_loop3A_204 : vector<16xf32>
      %parallel_loop3A_206 = arith.constant 1.000000e+00 : f32
      %parallel_loop3A_207 = arith.constant 0.000000e+00 : f32
      %parallel_loop3A_208 = vector.broadcast %parallel_loop3A_206 : f32 to vector<16xf32>
      %parallel_loop3A_209 = vector.broadcast %parallel_loop3A_207 : f32 to vector<16xf32>
      %parallel_loop3A_210 = arith.select %parallel_loop3A_205, %parallel_loop3A_208, %parallel_loop3A_209 : vector<16xi1>, vector<16xf32>
      %parallel_loop3A_211 = arith.addf %parallel_loop3A_188, %parallel_loop3A_210 : vector<16xf32>
      %parallel_loop3A_212 = arith.constant 1 : i32
      %parallel_loop3A_213 = arith.addi %parallel_loop3A_183, %parallel_loop3A_212 : i32
      %parallel_loop3A_214 = arith.constant 16 : i32
      %parallel_loop3A_215 = arith.muli %parallel_loop3A_213, %parallel_loop3A_214 : i32
      %parallel_loop3A_216 = arith.index_cast %parallel_loop3A_215 : i32 to index
      %parallel_loop3A_217 = tpu.vector_load %arg4[%parallel_loop3A_216] {strides = array<i32>} : memref<31296xf32, #tpu.memory_space<vmem>>, vector<16xf32>,
      %parallel_loop3A_218 = vector.shape_cast %parallel_loop3A_217 : vector<16xf32> to vector<16xf32>
      %parallel_loop3A_219 = arith.constant 0.000000e+00 : f32
      %parallel_loop3A_220 = vector.broadcast %parallel_loop3A_219 : f32 to vector<16xf32>
      %parallel_loop3A_221 = arith.minimumf %parallel_loop3A_218, %parallel_loop3A_220 : vector<16xf32>
      %parallel_loop3A_222 = arith.addf %parallel_loop3A_185, %parallel_loop3A_221 : vector<16xf32>
      %parallel_loop3A_223 = arith.constant 0.000000e+00 : f32
      %parallel_loop3A_224 = vector.broadcast %parallel_loop3A_223 : f32 to vector<16xf32>
      %parallel_loop3A_225 = arith.cmpf olt, %parallel_loop3A_218, %parallel_loop3A_224 : vector<16xf32>
      %parallel_loop3A_226 = arith.constant 1.000000e+00 : f32
      %parallel_loop3A_227 = arith.constant 0.000000e+00 : f32
      %parallel_loop3A_228 = vector.broadcast %parallel_loop3A_226 : f32 to vector<16xf32>
      %parallel_loop3A_229 = vector.broadcast %parallel_loop3A_227 : f32 to vector<16xf32>
      %parallel_loop3A_230 = arith.select %parallel_loop3A_225, %parallel_loop3A_228, %parallel_loop3A_229 : vector<16xi1>, vector<16xf32>
      %parallel_loop3A_231 = arith.addf %parallel_loop3A_189, %parallel_loop3A_230 : vector<16xf32>
      %parallel_loop3A_232 = arith.constant 2 : i32
      %parallel_loop3A_233 = arith.addi %parallel_loop3A_183, %parallel_loop3A_232 : i32
      %parallel_loop3A_234 = arith.constant 16 : i32
      %parallel_loop3A_235 = arith.muli %parallel_loop3A_233, %parallel_loop3A_234 : i32
      %parallel_loop3A_236 = arith.index_cast %parallel_loop3A_235 : i32 to index
      %parallel_loop3A_237 = tpu.vector_load %arg4[%parallel_loop3A_236] {strides = array<i32>} : memref<31296xf32, #tpu.memory_space<vmem>>, vector<16xf32>,
      %parallel_loop3A_238 = vector.shape_cast %parallel_loop3A_237 : vector<16xf32> to vector<16xf32>
      %parallel_loop3A_239 = arith.constant 0.000000e+00 : f32
      %parallel_loop3A_240 = vector.broadcast %parallel_loop3A_239 : f32 to vector<16xf32>
      %parallel_loop3A_241 = arith.minimumf %parallel_loop3A_238, %parallel_loop3A_240 : vector<16xf32>
      %parallel_loop3A_242 = arith.addf %parallel_loop3A_186, %parallel_loop3A_241 : vector<16xf32>
      %parallel_loop3A_243 = arith.constant 0.000000e+00 : f32
      %parallel_loop3A_244 = vector.broadcast %parallel_loop3A_243 : f32 to vector<16xf32>
      %parallel_loop3A_245 = arith.cmpf olt, %parallel_loop3A_238, %parallel_loop3A_244 : vector<16xf32>
      %parallel_loop3A_246 = arith.constant 1.000000e+00 : f32
      %parallel_loop3A_247 = arith.constant 0.000000e+00 : f32
      %parallel_loop3A_248 = vector.broadcast %parallel_loop3A_246 : f32 to vector<16xf32>
      %parallel_loop3A_249 = vector.broadcast %parallel_loop3A_247 : f32 to vector<16xf32>
      %parallel_loop3A_250 = arith.select %parallel_loop3A_245, %parallel_loop3A_248, %parallel_loop3A_249 : vector<16xi1>, vector<16xf32>
      %parallel_loop3A_251 = arith.addf %parallel_loop3A_190, %parallel_loop3A_250 : vector<16xf32>
      %parallel_loop3A_252 = arith.constant 3 : i32
      %parallel_loop3A_253 = arith.addi %parallel_loop3A_183, %parallel_loop3A_252 : i32
      %parallel_loop3A_254 = arith.constant 16 : i32
      %parallel_loop3A_255 = arith.muli %parallel_loop3A_253, %parallel_loop3A_254 : i32
      %parallel_loop3A_256 = arith.index_cast %parallel_loop3A_255 : i32 to index
      %parallel_loop3A_257 = tpu.vector_load %arg4[%parallel_loop3A_256] {strides = array<i32>} : memref<31296xf32, #tpu.memory_space<vmem>>, vector<16xf32>,
      %parallel_loop3A_258 = vector.shape_cast %parallel_loop3A_257 : vector<16xf32> to vector<16xf32>
      %parallel_loop3A_259 = arith.constant 0.000000e+00 : f32
      %parallel_loop3A_260 = vector.broadcast %parallel_loop3A_259 : f32 to vector<16xf32>
      %parallel_loop3A_261 = arith.minimumf %parallel_loop3A_258, %parallel_loop3A_260 : vector<16xf32>
      %parallel_loop3A_262 = arith.addf %parallel_loop3A_187, %parallel_loop3A_261 : vector<16xf32>
      %parallel_loop3A_263 = arith.constant 0.000000e+00 : f32
      %parallel_loop3A_264 = vector.broadcast %parallel_loop3A_263 : f32 to vector<16xf32>
      %parallel_loop3A_265 = arith.cmpf olt, %parallel_loop3A_258, %parallel_loop3A_264 : vector<16xf32>
      %parallel_loop3A_266 = arith.constant 1.000000e+00 : f32
      %parallel_loop3A_267 = arith.constant 0.000000e+00 : f32
      %parallel_loop3A_268 = vector.broadcast %parallel_loop3A_266 : f32 to vector<16xf32>
      %parallel_loop3A_269 = vector.broadcast %parallel_loop3A_267 : f32 to vector<16xf32>
      %parallel_loop3A_270 = arith.select %parallel_loop3A_265, %parallel_loop3A_268, %parallel_loop3A_269 : vector<16xi1>, vector<16xf32>
      %parallel_loop3A_271 = arith.addf %parallel_loop3A_191, %parallel_loop3A_270 : vector<16xf32>
      scf.yield %parallel_loop3A_202, %parallel_loop3A_222, %parallel_loop3A_242, %parallel_loop3A_262, %parallel_loop3A_211, %parallel_loop3A_231, %parallel_loop3A_251, %parallel_loop3A_271 : vector<16xf32>, vector<16xf32>, vector<16xf32>, vector<16xf32>, vector<16xf32>, vector<16xf32>, vector<16xf32>, vector<16xf32>
    } {sc.loop_unroll_factor = 2 : i64, sc.parallel_access}
    %dma_wait3A_114 = arith.constant 11712 : i32
    %dma_wait3A_115 = tpu.memref_slice %arg4[%dma_wait3A_114] : memref<31296xf32, #tpu.memory_space<vmem>> -> memref<3904xf32, #tpu.memory_space<vmem>>
    %dma_wait3A_116 = tpu.memref_slice %arg2[%add3A_31] : memref<1000000xf32, #tpu.memory_space<hbm>> -> memref<3904xf32, #tpu.memory_space<hbm>>
    %dma_wait3A_117 = arith.constant 11712 : i32
    %dma_wait3A_118 = tpu.memref_slice %arg4[%dma_wait3A_117] : memref<31296xf32, #tpu.memory_space<vmem>> -> memref<3904xf32, #tpu.memory_space<vmem>>
    %dma_wait3A_119 = tpu.memref_slice %arg2[%add3A_31] : memref<1000000xf32, #tpu.memory_space<hbm>> -> memref<3904xf32, #tpu.memory_space<hbm>>
    tpu.wait_dma2 semaphore(%arg9 : memref<!tpu.dma_semaphore, #tpu.memory_space<semaphore_mem>>) src(%dma_wait3A_119 : memref<3904xf32, #tpu.memory_space<hbm>>) dst(%dma_wait3A_118 : memref<3904xf32, #tpu.memory_space<vmem>>)
    %parallel_loop3A_120 = arith.constant 732 : i32
    %parallel_loop3A_121 = arith.constant 976 : i32
    %parallel_loop3A_122 = arith.constant 4 : i32
    %parallel_loop3A_123:8 = scf.for %parallel_loop3A_183 = %parallel_loop3A_120 to %parallel_loop3A_121 step %parallel_loop3A_122 iter_args(%parallel_loop3A_184 = %parallel_loop3A_113#0, %parallel_loop3A_185 = %parallel_loop3A_113#1, %parallel_loop3A_186 = %parallel_loop3A_113#2, %parallel_loop3A_187 = %parallel_loop3A_113#3, %parallel_loop3A_188 = %parallel_loop3A_113#4, %parallel_loop3A_189 = %parallel_loop3A_113#5, %parallel_loop3A_190 = %parallel_loop3A_113#6, %parallel_loop3A_191 = %parallel_loop3A_113#7) -> (vector<16xf32>, vector<16xf32>, vector<16xf32>, vector<16xf32>, vector<16xf32>, vector<16xf32>, vector<16xf32>, vector<16xf32>)  : i32 {
      %parallel_loop3A_192 = arith.constant 0 : i32
      %parallel_loop3A_193 = arith.addi %parallel_loop3A_183, %parallel_loop3A_192 : i32
      %parallel_loop3A_194 = arith.constant 16 : i32
      %parallel_loop3A_195 = arith.muli %parallel_loop3A_193, %parallel_loop3A_194 : i32
      %parallel_loop3A_196 = arith.index_cast %parallel_loop3A_195 : i32 to index
      %parallel_loop3A_197 = tpu.vector_load %arg4[%parallel_loop3A_196] {strides = array<i32>} : memref<31296xf32, #tpu.memory_space<vmem>>, vector<16xf32>,
      %parallel_loop3A_198 = vector.shape_cast %parallel_loop3A_197 : vector<16xf32> to vector<16xf32>
      %parallel_loop3A_199 = arith.constant 0.000000e+00 : f32
      %parallel_loop3A_200 = vector.broadcast %parallel_loop3A_199 : f32 to vector<16xf32>
      %parallel_loop3A_201 = arith.minimumf %parallel_loop3A_198, %parallel_loop3A_200 : vector<16xf32>
      %parallel_loop3A_202 = arith.addf %parallel_loop3A_184, %parallel_loop3A_201 : vector<16xf32>
      %parallel_loop3A_203 = arith.constant 0.000000e+00 : f32
      %parallel_loop3A_204 = vector.broadcast %parallel_loop3A_203 : f32 to vector<16xf32>
      %parallel_loop3A_205 = arith.cmpf olt, %parallel_loop3A_198, %parallel_loop3A_204 : vector<16xf32>
      %parallel_loop3A_206 = arith.constant 1.000000e+00 : f32
      %parallel_loop3A_207 = arith.constant 0.000000e+00 : f32
      %parallel_loop3A_208 = vector.broadcast %parallel_loop3A_206 : f32 to vector<16xf32>
      %parallel_loop3A_209 = vector.broadcast %parallel_loop3A_207 : f32 to vector<16xf32>
      %parallel_loop3A_210 = arith.select %parallel_loop3A_205, %parallel_loop3A_208, %parallel_loop3A_209 : vector<16xi1>, vector<16xf32>
      %parallel_loop3A_211 = arith.addf %parallel_loop3A_188, %parallel_loop3A_210 : vector<16xf32>
      %parallel_loop3A_212 = arith.constant 1 : i32
      %parallel_loop3A_213 = arith.addi %parallel_loop3A_183, %parallel_loop3A_212 : i32
      %parallel_loop3A_214 = arith.constant 16 : i32
      %parallel_loop3A_215 = arith.muli %parallel_loop3A_213, %parallel_loop3A_214 : i32
      %parallel_loop3A_216 = arith.index_cast %parallel_loop3A_215 : i32 to index
      %parallel_loop3A_217 = tpu.vector_load %arg4[%parallel_loop3A_216] {strides = array<i32>} : memref<31296xf32, #tpu.memory_space<vmem>>, vector<16xf32>,
      %parallel_loop3A_218 = vector.shape_cast %parallel_loop3A_217 : vector<16xf32> to vector<16xf32>
      %parallel_loop3A_219 = arith.constant 0.000000e+00 : f32
      %parallel_loop3A_220 = vector.broadcast %parallel_loop3A_219 : f32 to vector<16xf32>
      %parallel_loop3A_221 = arith.minimumf %parallel_loop3A_218, %parallel_loop3A_220 : vector<16xf32>
      %parallel_loop3A_222 = arith.addf %parallel_loop3A_185, %parallel_loop3A_221 : vector<16xf32>
      %parallel_loop3A_223 = arith.constant 0.000000e+00 : f32
      %parallel_loop3A_224 = vector.broadcast %parallel_loop3A_223 : f32 to vector<16xf32>
      %parallel_loop3A_225 = arith.cmpf olt, %parallel_loop3A_218, %parallel_loop3A_224 : vector<16xf32>
      %parallel_loop3A_226 = arith.constant 1.000000e+00 : f32
      %parallel_loop3A_227 = arith.constant 0.000000e+00 : f32
      %parallel_loop3A_228 = vector.broadcast %parallel_loop3A_226 : f32 to vector<16xf32>
      %parallel_loop3A_229 = vector.broadcast %parallel_loop3A_227 : f32 to vector<16xf32>
      %parallel_loop3A_230 = arith.select %parallel_loop3A_225, %parallel_loop3A_228, %parallel_loop3A_229 : vector<16xi1>, vector<16xf32>
      %parallel_loop3A_231 = arith.addf %parallel_loop3A_189, %parallel_loop3A_230 : vector<16xf32>
      %parallel_loop3A_232 = arith.constant 2 : i32
      %parallel_loop3A_233 = arith.addi %parallel_loop3A_183, %parallel_loop3A_232 : i32
      %parallel_loop3A_234 = arith.constant 16 : i32
      %parallel_loop3A_235 = arith.muli %parallel_loop3A_233, %parallel_loop3A_234 : i32
      %parallel_loop3A_236 = arith.index_cast %parallel_loop3A_235 : i32 to index
      %parallel_loop3A_237 = tpu.vector_load %arg4[%parallel_loop3A_236] {strides = array<i32>} : memref<31296xf32, #tpu.memory_space<vmem>>, vector<16xf32>,
      %parallel_loop3A_238 = vector.shape_cast %parallel_loop3A_237 : vector<16xf32> to vector<16xf32>
      %parallel_loop3A_239 = arith.constant 0.000000e+00 : f32
      %parallel_loop3A_240 = vector.broadcast %parallel_loop3A_239 : f32 to vector<16xf32>
      %parallel_loop3A_241 = arith.minimumf %parallel_loop3A_238, %parallel_loop3A_240 : vector<16xf32>
      %parallel_loop3A_242 = arith.addf %parallel_loop3A_186, %parallel_loop3A_241 : vector<16xf32>
      %parallel_loop3A_243 = arith.constant 0.000000e+00 : f32
      %parallel_loop3A_244 = vector.broadcast %parallel_loop3A_243 : f32 to vector<16xf32>
      %parallel_loop3A_245 = arith.cmpf olt, %parallel_loop3A_238, %parallel_loop3A_244 : vector<16xf32>
      %parallel_loop3A_246 = arith.constant 1.000000e+00 : f32
      %parallel_loop3A_247 = arith.constant 0.000000e+00 : f32
      %parallel_loop3A_248 = vector.broadcast %parallel_loop3A_246 : f32 to vector<16xf32>
      %parallel_loop3A_249 = vector.broadcast %parallel_loop3A_247 : f32 to vector<16xf32>
      %parallel_loop3A_250 = arith.select %parallel_loop3A_245, %parallel_loop3A_248, %parallel_loop3A_249 : vector<16xi1>, vector<16xf32>
      %parallel_loop3A_251 = arith.addf %parallel_loop3A_190, %parallel_loop3A_250 : vector<16xf32>
      %parallel_loop3A_252 = arith.constant 3 : i32
      %parallel_loop3A_253 = arith.addi %parallel_loop3A_183, %parallel_loop3A_252 : i32
      %parallel_loop3A_254 = arith.constant 16 : i32
      %parallel_loop3A_255 = arith.muli %parallel_loop3A_253, %parallel_loop3A_254 : i32
      %parallel_loop3A_256 = arith.index_cast %parallel_loop3A_255 : i32 to index
      %parallel_loop3A_257 = tpu.vector_load %arg4[%parallel_loop3A_256] {strides = array<i32>} : memref<31296xf32, #tpu.memory_space<vmem>>, vector<16xf32>,
      %parallel_loop3A_258 = vector.shape_cast %parallel_loop3A_257 : vector<16xf32> to vector<16xf32>
      %parallel_loop3A_259 = arith.constant 0.000000e+00 : f32
      %parallel_loop3A_260 = vector.broadcast %parallel_loop3A_259 : f32 to vector<16xf32>
      %parallel_loop3A_261 = arith.minimumf %parallel_loop3A_258, %parallel_loop3A_260 : vector<16xf32>
      %parallel_loop3A_262 = arith.addf %parallel_loop3A_187, %parallel_loop3A_261 : vector<16xf32>
      %parallel_loop3A_263 = arith.constant 0.000000e+00 : f32
      %parallel_loop3A_264 = vector.broadcast %parallel_loop3A_263 : f32 to vector<16xf32>
      %parallel_loop3A_265 = arith.cmpf olt, %parallel_loop3A_258, %parallel_loop3A_264 : vector<16xf32>
      %parallel_loop3A_266 = arith.constant 1.000000e+00 : f32
      %parallel_loop3A_267 = arith.constant 0.000000e+00 : f32
      %parallel_loop3A_268 = vector.broadcast %parallel_loop3A_266 : f32 to vector<16xf32>
      %parallel_loop3A_269 = vector.broadcast %parallel_loop3A_267 : f32 to vector<16xf32>
      %parallel_loop3A_270 = arith.select %parallel_loop3A_265, %parallel_loop3A_268, %parallel_loop3A_269 : vector<16xi1>, vector<16xf32>
      %parallel_loop3A_271 = arith.addf %parallel_loop3A_191, %parallel_loop3A_270 : vector<16xf32>
      scf.yield %parallel_loop3A_202, %parallel_loop3A_222, %parallel_loop3A_242, %parallel_loop3A_262, %parallel_loop3A_211, %parallel_loop3A_231, %parallel_loop3A_251, %parallel_loop3A_271 : vector<16xf32>, vector<16xf32>, vector<16xf32>, vector<16xf32>, vector<16xf32>, vector<16xf32>, vector<16xf32>, vector<16xf32>
    } {sc.loop_unroll_factor = 2 : i64, sc.parallel_access}
    %dma_wait3A_124 = arith.constant 15616 : i32
    %dma_wait3A_125 = tpu.memref_slice %arg4[%dma_wait3A_124] : memref<31296xf32, #tpu.memory_space<vmem>> -> memref<3904xf32, #tpu.memory_space<vmem>>
    %dma_wait3A_126 = tpu.memref_slice %arg2[%add3A_39] : memref<1000000xf32, #tpu.memory_space<hbm>> -> memref<3904xf32, #tpu.memory_space<hbm>>
    %dma_wait3A_127 = arith.constant 15616 : i32
    %dma_wait3A_128 = tpu.memref_slice %arg4[%dma_wait3A_127] : memref<31296xf32, #tpu.memory_space<vmem>> -> memref<3904xf32, #tpu.memory_space<vmem>>
    %dma_wait3A_129 = tpu.memref_slice %arg2[%add3A_39] : memref<1000000xf32, #tpu.memory_space<hbm>> -> memref<3904xf32, #tpu.memory_space<hbm>>
    tpu.wait_dma2 semaphore(%arg10 : memref<!tpu.dma_semaphore, #tpu.memory_space<semaphore_mem>>) src(%dma_wait3A_129 : memref<3904xf32, #tpu.memory_space<hbm>>) dst(%dma_wait3A_128 : memref<3904xf32, #tpu.memory_space<vmem>>)
    %parallel_loop3A_130 = arith.constant 976 : i32
    %parallel_loop3A_131 = arith.constant 1220 : i32
    %parallel_loop3A_132 = arith.constant 4 : i32
    %parallel_loop3A_133:8 = scf.for %parallel_loop3A_183 = %parallel_loop3A_130 to %parallel_loop3A_131 step %parallel_loop3A_132 iter_args(%parallel_loop3A_184 = %parallel_loop3A_123#0, %parallel_loop3A_185 = %parallel_loop3A_123#1, %parallel_loop3A_186 = %parallel_loop3A_123#2, %parallel_loop3A_187 = %parallel_loop3A_123#3, %parallel_loop3A_188 = %parallel_loop3A_123#4, %parallel_loop3A_189 = %parallel_loop3A_123#5, %parallel_loop3A_190 = %parallel_loop3A_123#6, %parallel_loop3A_191 = %parallel_loop3A_123#7) -> (vector<16xf32>, vector<16xf32>, vector<16xf32>, vector<16xf32>, vector<16xf32>, vector<16xf32>, vector<16xf32>, vector<16xf32>)  : i32 {
      %parallel_loop3A_192 = arith.constant 0 : i32
      %parallel_loop3A_193 = arith.addi %parallel_loop3A_183, %parallel_loop3A_192 : i32
      %parallel_loop3A_194 = arith.constant 16 : i32
      %parallel_loop3A_195 = arith.muli %parallel_loop3A_193, %parallel_loop3A_194 : i32
      %parallel_loop3A_196 = arith.index_cast %parallel_loop3A_195 : i32 to index
      %parallel_loop3A_197 = tpu.vector_load %arg4[%parallel_loop3A_196] {strides = array<i32>} : memref<31296xf32, #tpu.memory_space<vmem>>, vector<16xf32>,
      %parallel_loop3A_198 = vector.shape_cast %parallel_loop3A_197 : vector<16xf32> to vector<16xf32>
      %parallel_loop3A_199 = arith.constant 0.000000e+00 : f32
      %parallel_loop3A_200 = vector.broadcast %parallel_loop3A_199 : f32 to vector<16xf32>
      %parallel_loop3A_201 = arith.minimumf %parallel_loop3A_198, %parallel_loop3A_200 : vector<16xf32>
      %parallel_loop3A_202 = arith.addf %parallel_loop3A_184, %parallel_loop3A_201 : vector<16xf32>
      %parallel_loop3A_203 = arith.constant 0.000000e+00 : f32
      %parallel_loop3A_204 = vector.broadcast %parallel_loop3A_203 : f32 to vector<16xf32>
      %parallel_loop3A_205 = arith.cmpf olt, %parallel_loop3A_198, %parallel_loop3A_204 : vector<16xf32>
      %parallel_loop3A_206 = arith.constant 1.000000e+00 : f32
      %parallel_loop3A_207 = arith.constant 0.000000e+00 : f32
      %parallel_loop3A_208 = vector.broadcast %parallel_loop3A_206 : f32 to vector<16xf32>
      %parallel_loop3A_209 = vector.broadcast %parallel_loop3A_207 : f32 to vector<16xf32>
      %parallel_loop3A_210 = arith.select %parallel_loop3A_205, %parallel_loop3A_208, %parallel_loop3A_209 : vector<16xi1>, vector<16xf32>
      %parallel_loop3A_211 = arith.addf %parallel_loop3A_188, %parallel_loop3A_210 : vector<16xf32>
      %parallel_loop3A_212 = arith.constant 1 : i32
      %parallel_loop3A_213 = arith.addi %parallel_loop3A_183, %parallel_loop3A_212 : i32
      %parallel_loop3A_214 = arith.constant 16 : i32
      %parallel_loop3A_215 = arith.muli %parallel_loop3A_213, %parallel_loop3A_214 : i32
      %parallel_loop3A_216 = arith.index_cast %parallel_loop3A_215 : i32 to index
      %parallel_loop3A_217 = tpu.vector_load %arg4[%parallel_loop3A_216] {strides = array<i32>} : memref<31296xf32, #tpu.memory_space<vmem>>, vector<16xf32>,
      %parallel_loop3A_218 = vector.shape_cast %parallel_loop3A_217 : vector<16xf32> to vector<16xf32>
      %parallel_loop3A_219 = arith.constant 0.000000e+00 : f32
      %parallel_loop3A_220 = vector.broadcast %parallel_loop3A_219 : f32 to vector<16xf32>
      %parallel_loop3A_221 = arith.minimumf %parallel_loop3A_218, %parallel_loop3A_220 : vector<16xf32>
      %parallel_loop3A_222 = arith.addf %parallel_loop3A_185, %parallel_loop3A_221 : vector<16xf32>
      %parallel_loop3A_223 = arith.constant 0.000000e+00 : f32
      %parallel_loop3A_224 = vector.broadcast %parallel_loop3A_223 : f32 to vector<16xf32>
      %parallel_loop3A_225 = arith.cmpf olt, %parallel_loop3A_218, %parallel_loop3A_224 : vector<16xf32>
      %parallel_loop3A_226 = arith.constant 1.000000e+00 : f32
      %parallel_loop3A_227 = arith.constant 0.000000e+00 : f32
      %parallel_loop3A_228 = vector.broadcast %parallel_loop3A_226 : f32 to vector<16xf32>
      %parallel_loop3A_229 = vector.broadcast %parallel_loop3A_227 : f32 to vector<16xf32>
      %parallel_loop3A_230 = arith.select %parallel_loop3A_225, %parallel_loop3A_228, %parallel_loop3A_229 : vector<16xi1>, vector<16xf32>
      %parallel_loop3A_231 = arith.addf %parallel_loop3A_189, %parallel_loop3A_230 : vector<16xf32>
      %parallel_loop3A_232 = arith.constant 2 : i32
      %parallel_loop3A_233 = arith.addi %parallel_loop3A_183, %parallel_loop3A_232 : i32
      %parallel_loop3A_234 = arith.constant 16 : i32
      %parallel_loop3A_235 = arith.muli %parallel_loop3A_233, %parallel_loop3A_234 : i32
      %parallel_loop3A_236 = arith.index_cast %parallel_loop3A_235 : i32 to index
      %parallel_loop3A_237 = tpu.vector_load %arg4[%parallel_loop3A_236] {strides = array<i32>} : memref<31296xf32, #tpu.memory_space<vmem>>, vector<16xf32>,
      %parallel_loop3A_238 = vector.shape_cast %parallel_loop3A_237 : vector<16xf32> to vector<16xf32>
      %parallel_loop3A_239 = arith.constant 0.000000e+00 : f32
      %parallel_loop3A_240 = vector.broadcast %parallel_loop3A_239 : f32 to vector<16xf32>
      %parallel_loop3A_241 = arith.minimumf %parallel_loop3A_238, %parallel_loop3A_240 : vector<16xf32>
      %parallel_loop3A_242 = arith.addf %parallel_loop3A_186, %parallel_loop3A_241 : vector<16xf32>
      %parallel_loop3A_243 = arith.constant 0.000000e+00 : f32
      %parallel_loop3A_244 = vector.broadcast %parallel_loop3A_243 : f32 to vector<16xf32>
      %parallel_loop3A_245 = arith.cmpf olt, %parallel_loop3A_238, %parallel_loop3A_244 : vector<16xf32>
      %parallel_loop3A_246 = arith.constant 1.000000e+00 : f32
      %parallel_loop3A_247 = arith.constant 0.000000e+00 : f32
      %parallel_loop3A_248 = vector.broadcast %parallel_loop3A_246 : f32 to vector<16xf32>
      %parallel_loop3A_249 = vector.broadcast %parallel_loop3A_247 : f32 to vector<16xf32>
      %parallel_loop3A_250 = arith.select %parallel_loop3A_245, %parallel_loop3A_248, %parallel_loop3A_249 : vector<16xi1>, vector<16xf32>
      %parallel_loop3A_251 = arith.addf %parallel_loop3A_190, %parallel_loop3A_250 : vector<16xf32>
      %parallel_loop3A_252 = arith.constant 3 : i32
      %parallel_loop3A_253 = arith.addi %parallel_loop3A_183, %parallel_loop3A_252 : i32
      %parallel_loop3A_254 = arith.constant 16 : i32
      %parallel_loop3A_255 = arith.muli %parallel_loop3A_253, %parallel_loop3A_254 : i32
      %parallel_loop3A_256 = arith.index_cast %parallel_loop3A_255 : i32 to index
      %parallel_loop3A_257 = tpu.vector_load %arg4[%parallel_loop3A_256] {strides = array<i32>} : memref<31296xf32, #tpu.memory_space<vmem>>, vector<16xf32>,
      %parallel_loop3A_258 = vector.shape_cast %parallel_loop3A_257 : vector<16xf32> to vector<16xf32>
      %parallel_loop3A_259 = arith.constant 0.000000e+00 : f32
      %parallel_loop3A_260 = vector.broadcast %parallel_loop3A_259 : f32 to vector<16xf32>
      %parallel_loop3A_261 = arith.minimumf %parallel_loop3A_258, %parallel_loop3A_260 : vector<16xf32>
      %parallel_loop3A_262 = arith.addf %parallel_loop3A_187, %parallel_loop3A_261 : vector<16xf32>
      %parallel_loop3A_263 = arith.constant 0.000000e+00 : f32
      %parallel_loop3A_264 = vector.broadcast %parallel_loop3A_263 : f32 to vector<16xf32>
      %parallel_loop3A_265 = arith.cmpf olt, %parallel_loop3A_258, %parallel_loop3A_264 : vector<16xf32>
      %parallel_loop3A_266 = arith.constant 1.000000e+00 : f32
      %parallel_loop3A_267 = arith.constant 0.000000e+00 : f32
      %parallel_loop3A_268 = vector.broadcast %parallel_loop3A_266 : f32 to vector<16xf32>
      %parallel_loop3A_269 = vector.broadcast %parallel_loop3A_267 : f32 to vector<16xf32>
      %parallel_loop3A_270 = arith.select %parallel_loop3A_265, %parallel_loop3A_268, %parallel_loop3A_269 : vector<16xi1>, vector<16xf32>
      %parallel_loop3A_271 = arith.addf %parallel_loop3A_191, %parallel_loop3A_270 : vector<16xf32>
      scf.yield %parallel_loop3A_202, %parallel_loop3A_222, %parallel_loop3A_242, %parallel_loop3A_262, %parallel_loop3A_211, %parallel_loop3A_231, %parallel_loop3A_251, %parallel_loop3A_271 : vector<16xf32>, vector<16xf32>, vector<16xf32>, vector<16xf32>, vector<16xf32>, vector<16xf32>, vector<16xf32>, vector<16xf32>
    } {sc.loop_unroll_factor = 2 : i64, sc.parallel_access}
    %dma_wait3A_134 = arith.constant 19520 : i32
    %dma_wait3A_135 = tpu.memref_slice %arg4[%dma_wait3A_134] : memref<31296xf32, #tpu.memory_space<vmem>> -> memref<3904xf32, #tpu.memory_space<vmem>>
    %dma_wait3A_136 = tpu.memref_slice %arg2[%add3A_47] : memref<1000000xf32, #tpu.memory_space<hbm>> -> memref<3904xf32, #tpu.memory_space<hbm>>
    %dma_wait3A_137 = arith.constant 19520 : i32
    %dma_wait3A_138 = tpu.memref_slice %arg4[%dma_wait3A_137] : memref<31296xf32, #tpu.memory_space<vmem>> -> memref<3904xf32, #tpu.memory_space<vmem>>
    %dma_wait3A_139 = tpu.memref_slice %arg2[%add3A_47] : memref<1000000xf32, #tpu.memory_space<hbm>> -> memref<3904xf32, #tpu.memory_space<hbm>>
    tpu.wait_dma2 semaphore(%arg11 : memref<!tpu.dma_semaphore, #tpu.memory_space<semaphore_mem>>) src(%dma_wait3A_139 : memref<3904xf32, #tpu.memory_space<hbm>>) dst(%dma_wait3A_138 : memref<3904xf32, #tpu.memory_space<vmem>>)
    %parallel_loop3A_140 = arith.constant 1220 : i32
    %parallel_loop3A_141 = arith.constant 1464 : i32
    %parallel_loop3A_142 = arith.constant 4 : i32
    %parallel_loop3A_143:8 = scf.for %parallel_loop3A_183 = %parallel_loop3A_140 to %parallel_loop3A_141 step %parallel_loop3A_142 iter_args(%parallel_loop3A_184 = %parallel_loop3A_133#0, %parallel_loop3A_185 = %parallel_loop3A_133#1, %parallel_loop3A_186 = %parallel_loop3A_133#2, %parallel_loop3A_187 = %parallel_loop3A_133#3, %parallel_loop3A_188 = %parallel_loop3A_133#4, %parallel_loop3A_189 = %parallel_loop3A_133#5, %parallel_loop3A_190 = %parallel_loop3A_133#6, %parallel_loop3A_191 = %parallel_loop3A_133#7) -> (vector<16xf32>, vector<16xf32>, vector<16xf32>, vector<16xf32>, vector<16xf32>, vector<16xf32>, vector<16xf32>, vector<16xf32>)  : i32 {
      %parallel_loop3A_192 = arith.constant 0 : i32
      %parallel_loop3A_193 = arith.addi %parallel_loop3A_183, %parallel_loop3A_192 : i32
      %parallel_loop3A_194 = arith.constant 16 : i32
      %parallel_loop3A_195 = arith.muli %parallel_loop3A_193, %parallel_loop3A_194 : i32
      %parallel_loop3A_196 = arith.index_cast %parallel_loop3A_195 : i32 to index
      %parallel_loop3A_197 = tpu.vector_load %arg4[%parallel_loop3A_196] {strides = array<i32>} : memref<31296xf32, #tpu.memory_space<vmem>>, vector<16xf32>,
      %parallel_loop3A_198 = vector.shape_cast %parallel_loop3A_197 : vector<16xf32> to vector<16xf32>
      %parallel_loop3A_199 = arith.constant 0.000000e+00 : f32
      %parallel_loop3A_200 = vector.broadcast %parallel_loop3A_199 : f32 to vector<16xf32>
      %parallel_loop3A_201 = arith.minimumf %parallel_loop3A_198, %parallel_loop3A_200 : vector<16xf32>
      %parallel_loop3A_202 = arith.addf %parallel_loop3A_184, %parallel_loop3A_201 : vector<16xf32>
      %parallel_loop3A_203 = arith.constant 0.000000e+00 : f32
      %parallel_loop3A_204 = vector.broadcast %parallel_loop3A_203 : f32 to vector<16xf32>
      %parallel_loop3A_205 = arith.cmpf olt, %parallel_loop3A_198, %parallel_loop3A_204 : vector<16xf32>
      %parallel_loop3A_206 = arith.constant 1.000000e+00 : f32
      %parallel_loop3A_207 = arith.constant 0.000000e+00 : f32
      %parallel_loop3A_208 = vector.broadcast %parallel_loop3A_206 : f32 to vector<16xf32>
      %parallel_loop3A_209 = vector.broadcast %parallel_loop3A_207 : f32 to vector<16xf32>
      %parallel_loop3A_210 = arith.select %parallel_loop3A_205, %parallel_loop3A_208, %parallel_loop3A_209 : vector<16xi1>, vector<16xf32>
      %parallel_loop3A_211 = arith.addf %parallel_loop3A_188, %parallel_loop3A_210 : vector<16xf32>
      %parallel_loop3A_212 = arith.constant 1 : i32
      %parallel_loop3A_213 = arith.addi %parallel_loop3A_183, %parallel_loop3A_212 : i32
      %parallel_loop3A_214 = arith.constant 16 : i32
      %parallel_loop3A_215 = arith.muli %parallel_loop3A_213, %parallel_loop3A_214 : i32
      %parallel_loop3A_216 = arith.index_cast %parallel_loop3A_215 : i32 to index
      %parallel_loop3A_217 = tpu.vector_load %arg4[%parallel_loop3A_216] {strides = array<i32>} : memref<31296xf32, #tpu.memory_space<vmem>>, vector<16xf32>,
      %parallel_loop3A_218 = vector.shape_cast %parallel_loop3A_217 : vector<16xf32> to vector<16xf32>
      %parallel_loop3A_219 = arith.constant 0.000000e+00 : f32
      %parallel_loop3A_220 = vector.broadcast %parallel_loop3A_219 : f32 to vector<16xf32>
      %parallel_loop3A_221 = arith.minimumf %parallel_loop3A_218, %parallel_loop3A_220 : vector<16xf32>
      %parallel_loop3A_222 = arith.addf %parallel_loop3A_185, %parallel_loop3A_221 : vector<16xf32>
      %parallel_loop3A_223 = arith.constant 0.000000e+00 : f32
      %parallel_loop3A_224 = vector.broadcast %parallel_loop3A_223 : f32 to vector<16xf32>
      %parallel_loop3A_225 = arith.cmpf olt, %parallel_loop3A_218, %parallel_loop3A_224 : vector<16xf32>
      %parallel_loop3A_226 = arith.constant 1.000000e+00 : f32
      %parallel_loop3A_227 = arith.constant 0.000000e+00 : f32
      %parallel_loop3A_228 = vector.broadcast %parallel_loop3A_226 : f32 to vector<16xf32>
      %parallel_loop3A_229 = vector.broadcast %parallel_loop3A_227 : f32 to vector<16xf32>
      %parallel_loop3A_230 = arith.select %parallel_loop3A_225, %parallel_loop3A_228, %parallel_loop3A_229 : vector<16xi1>, vector<16xf32>
      %parallel_loop3A_231 = arith.addf %parallel_loop3A_189, %parallel_loop3A_230 : vector<16xf32>
      %parallel_loop3A_232 = arith.constant 2 : i32
      %parallel_loop3A_233 = arith.addi %parallel_loop3A_183, %parallel_loop3A_232 : i32
      %parallel_loop3A_234 = arith.constant 16 : i32
      %parallel_loop3A_235 = arith.muli %parallel_loop3A_233, %parallel_loop3A_234 : i32
      %parallel_loop3A_236 = arith.index_cast %parallel_loop3A_235 : i32 to index
      %parallel_loop3A_237 = tpu.vector_load %arg4[%parallel_loop3A_236] {strides = array<i32>} : memref<31296xf32, #tpu.memory_space<vmem>>, vector<16xf32>,
      %parallel_loop3A_238 = vector.shape_cast %parallel_loop3A_237 : vector<16xf32> to vector<16xf32>
      %parallel_loop3A_239 = arith.constant 0.000000e+00 : f32
      %parallel_loop3A_240 = vector.broadcast %parallel_loop3A_239 : f32 to vector<16xf32>
      %parallel_loop3A_241 = arith.minimumf %parallel_loop3A_238, %parallel_loop3A_240 : vector<16xf32>
      %parallel_loop3A_242 = arith.addf %parallel_loop3A_186, %parallel_loop3A_241 : vector<16xf32>
      %parallel_loop3A_243 = arith.constant 0.000000e+00 : f32
      %parallel_loop3A_244 = vector.broadcast %parallel_loop3A_243 : f32 to vector<16xf32>
      %parallel_loop3A_245 = arith.cmpf olt, %parallel_loop3A_238, %parallel_loop3A_244 : vector<16xf32>
      %parallel_loop3A_246 = arith.constant 1.000000e+00 : f32
      %parallel_loop3A_247 = arith.constant 0.000000e+00 : f32
      %parallel_loop3A_248 = vector.broadcast %parallel_loop3A_246 : f32 to vector<16xf32>
      %parallel_loop3A_249 = vector.broadcast %parallel_loop3A_247 : f32 to vector<16xf32>
      %parallel_loop3A_250 = arith.select %parallel_loop3A_245, %parallel_loop3A_248, %parallel_loop3A_249 : vector<16xi1>, vector<16xf32>
      %parallel_loop3A_251 = arith.addf %parallel_loop3A_190, %parallel_loop3A_250 : vector<16xf32>
      %parallel_loop3A_252 = arith.constant 3 : i32
      %parallel_loop3A_253 = arith.addi %parallel_loop3A_183, %parallel_loop3A_252 : i32
      %parallel_loop3A_254 = arith.constant 16 : i32
      %parallel_loop3A_255 = arith.muli %parallel_loop3A_253, %parallel_loop3A_254 : i32
      %parallel_loop3A_256 = arith.index_cast %parallel_loop3A_255 : i32 to index
      %parallel_loop3A_257 = tpu.vector_load %arg4[%parallel_loop3A_256] {strides = array<i32>} : memref<31296xf32, #tpu.memory_space<vmem>>, vector<16xf32>,
      %parallel_loop3A_258 = vector.shape_cast %parallel_loop3A_257 : vector<16xf32> to vector<16xf32>
      %parallel_loop3A_259 = arith.constant 0.000000e+00 : f32
      %parallel_loop3A_260 = vector.broadcast %parallel_loop3A_259 : f32 to vector<16xf32>
      %parallel_loop3A_261 = arith.minimumf %parallel_loop3A_258, %parallel_loop3A_260 : vector<16xf32>
      %parallel_loop3A_262 = arith.addf %parallel_loop3A_187, %parallel_loop3A_261 : vector<16xf32>
      %parallel_loop3A_263 = arith.constant 0.000000e+00 : f32
      %parallel_loop3A_264 = vector.broadcast %parallel_loop3A_263 : f32 to vector<16xf32>
      %parallel_loop3A_265 = arith.cmpf olt, %parallel_loop3A_258, %parallel_loop3A_264 : vector<16xf32>
      %parallel_loop3A_266 = arith.constant 1.000000e+00 : f32
      %parallel_loop3A_267 = arith.constant 0.000000e+00 : f32
      %parallel_loop3A_268 = vector.broadcast %parallel_loop3A_266 : f32 to vector<16xf32>
      %parallel_loop3A_269 = vector.broadcast %parallel_loop3A_267 : f32 to vector<16xf32>
      %parallel_loop3A_270 = arith.select %parallel_loop3A_265, %parallel_loop3A_268, %parallel_loop3A_269 : vector<16xi1>, vector<16xf32>
      %parallel_loop3A_271 = arith.addf %parallel_loop3A_191, %parallel_loop3A_270 : vector<16xf32>
      scf.yield %parallel_loop3A_202, %parallel_loop3A_222, %parallel_loop3A_242, %parallel_loop3A_262, %parallel_loop3A_211, %parallel_loop3A_231, %parallel_loop3A_251, %parallel_loop3A_271 : vector<16xf32>, vector<16xf32>, vector<16xf32>, vector<16xf32>, vector<16xf32>, vector<16xf32>, vector<16xf32>, vector<16xf32>
    } {sc.loop_unroll_factor = 2 : i64, sc.parallel_access}
    %dma_wait3A_144 = arith.constant 23424 : i32
    %dma_wait3A_145 = tpu.memref_slice %arg4[%dma_wait3A_144] : memref<31296xf32, #tpu.memory_space<vmem>> -> memref<3904xf32, #tpu.memory_space<vmem>>
    %dma_wait3A_146 = tpu.memref_slice %arg2[%add3A_55] : memref<1000000xf32, #tpu.memory_space<hbm>> -> memref<3904xf32, #tpu.memory_space<hbm>>
    %dma_wait3A_147 = arith.constant 23424 : i32
    %dma_wait3A_148 = tpu.memref_slice %arg4[%dma_wait3A_147] : memref<31296xf32, #tpu.memory_space<vmem>> -> memref<3904xf32, #tpu.memory_space<vmem>>
    %dma_wait3A_149 = tpu.memref_slice %arg2[%add3A_55] : memref<1000000xf32, #tpu.memory_space<hbm>> -> memref<3904xf32, #tpu.memory_space<hbm>>
    tpu.wait_dma2 semaphore(%arg12 : memref<!tpu.dma_semaphore, #tpu.memory_space<semaphore_mem>>) src(%dma_wait3A_149 : memref<3904xf32, #tpu.memory_space<hbm>>) dst(%dma_wait3A_148 : memref<3904xf32, #tpu.memory_space<vmem>>)
    %parallel_loop3A_150 = arith.constant 1464 : i32
    %parallel_loop3A_151 = arith.constant 1708 : i32
    %parallel_loop3A_152 = arith.constant 4 : i32
    %parallel_loop3A_153:8 = scf.for %parallel_loop3A_183 = %parallel_loop3A_150 to %parallel_loop3A_151 step %parallel_loop3A_152 iter_args(%parallel_loop3A_184 = %parallel_loop3A_143#0, %parallel_loop3A_185 = %parallel_loop3A_143#1, %parallel_loop3A_186 = %parallel_loop3A_143#2, %parallel_loop3A_187 = %parallel_loop3A_143#3, %parallel_loop3A_188 = %parallel_loop3A_143#4, %parallel_loop3A_189 = %parallel_loop3A_143#5, %parallel_loop3A_190 = %parallel_loop3A_143#6, %parallel_loop3A_191 = %parallel_loop3A_143#7) -> (vector<16xf32>, vector<16xf32>, vector<16xf32>, vector<16xf32>, vector<16xf32>, vector<16xf32>, vector<16xf32>, vector<16xf32>)  : i32 {
      %parallel_loop3A_192 = arith.constant 0 : i32
      %parallel_loop3A_193 = arith.addi %parallel_loop3A_183, %parallel_loop3A_192 : i32
      %parallel_loop3A_194 = arith.constant 16 : i32
      %parallel_loop3A_195 = arith.muli %parallel_loop3A_193, %parallel_loop3A_194 : i32
      %parallel_loop3A_196 = arith.index_cast %parallel_loop3A_195 : i32 to index
      %parallel_loop3A_197 = tpu.vector_load %arg4[%parallel_loop3A_196] {strides = array<i32>} : memref<31296xf32, #tpu.memory_space<vmem>>, vector<16xf32>,
      %parallel_loop3A_198 = vector.shape_cast %parallel_loop3A_197 : vector<16xf32> to vector<16xf32>
      %parallel_loop3A_199 = arith.constant 0.000000e+00 : f32
      %parallel_loop3A_200 = vector.broadcast %parallel_loop3A_199 : f32 to vector<16xf32>
      %parallel_loop3A_201 = arith.minimumf %parallel_loop3A_198, %parallel_loop3A_200 : vector<16xf32>
      %parallel_loop3A_202 = arith.addf %parallel_loop3A_184, %parallel_loop3A_201 : vector<16xf32>
      %parallel_loop3A_203 = arith.constant 0.000000e+00 : f32
      %parallel_loop3A_204 = vector.broadcast %parallel_loop3A_203 : f32 to vector<16xf32>
      %parallel_loop3A_205 = arith.cmpf olt, %parallel_loop3A_198, %parallel_loop3A_204 : vector<16xf32>
      %parallel_loop3A_206 = arith.constant 1.000000e+00 : f32
      %parallel_loop3A_207 = arith.constant 0.000000e+00 : f32
      %parallel_loop3A_208 = vector.broadcast %parallel_loop3A_206 : f32 to vector<16xf32>
      %parallel_loop3A_209 = vector.broadcast %parallel_loop3A_207 : f32 to vector<16xf32>
      %parallel_loop3A_210 = arith.select %parallel_loop3A_205, %parallel_loop3A_208, %parallel_loop3A_209 : vector<16xi1>, vector<16xf32>
      %parallel_loop3A_211 = arith.addf %parallel_loop3A_188, %parallel_loop3A_210 : vector<16xf32>
      %parallel_loop3A_212 = arith.constant 1 : i32
      %parallel_loop3A_213 = arith.addi %parallel_loop3A_183, %parallel_loop3A_212 : i32
      %parallel_loop3A_214 = arith.constant 16 : i32
      %parallel_loop3A_215 = arith.muli %parallel_loop3A_213, %parallel_loop3A_214 : i32
      %parallel_loop3A_216 = arith.index_cast %parallel_loop3A_215 : i32 to index
      %parallel_loop3A_217 = tpu.vector_load %arg4[%parallel_loop3A_216] {strides = array<i32>} : memref<31296xf32, #tpu.memory_space<vmem>>, vector<16xf32>,
      %parallel_loop3A_218 = vector.shape_cast %parallel_loop3A_217 : vector<16xf32> to vector<16xf32>
      %parallel_loop3A_219 = arith.constant 0.000000e+00 : f32
      %parallel_loop3A_220 = vector.broadcast %parallel_loop3A_219 : f32 to vector<16xf32>
      %parallel_loop3A_221 = arith.minimumf %parallel_loop3A_218, %parallel_loop3A_220 : vector<16xf32>
      %parallel_loop3A_222 = arith.addf %parallel_loop3A_185, %parallel_loop3A_221 : vector<16xf32>
      %parallel_loop3A_223 = arith.constant 0.000000e+00 : f32
      %parallel_loop3A_224 = vector.broadcast %parallel_loop3A_223 : f32 to vector<16xf32>
      %parallel_loop3A_225 = arith.cmpf olt, %parallel_loop3A_218, %parallel_loop3A_224 : vector<16xf32>
      %parallel_loop3A_226 = arith.constant 1.000000e+00 : f32
      %parallel_loop3A_227 = arith.constant 0.000000e+00 : f32
      %parallel_loop3A_228 = vector.broadcast %parallel_loop3A_226 : f32 to vector<16xf32>
      %parallel_loop3A_229 = vector.broadcast %parallel_loop3A_227 : f32 to vector<16xf32>
      %parallel_loop3A_230 = arith.select %parallel_loop3A_225, %parallel_loop3A_228, %parallel_loop3A_229 : vector<16xi1>, vector<16xf32>
      %parallel_loop3A_231 = arith.addf %parallel_loop3A_189, %parallel_loop3A_230 : vector<16xf32>
      %parallel_loop3A_232 = arith.constant 2 : i32
      %parallel_loop3A_233 = arith.addi %parallel_loop3A_183, %parallel_loop3A_232 : i32
      %parallel_loop3A_234 = arith.constant 16 : i32
      %parallel_loop3A_235 = arith.muli %parallel_loop3A_233, %parallel_loop3A_234 : i32
      %parallel_loop3A_236 = arith.index_cast %parallel_loop3A_235 : i32 to index
      %parallel_loop3A_237 = tpu.vector_load %arg4[%parallel_loop3A_236] {strides = array<i32>} : memref<31296xf32, #tpu.memory_space<vmem>>, vector<16xf32>,
      %parallel_loop3A_238 = vector.shape_cast %parallel_loop3A_237 : vector<16xf32> to vector<16xf32>
      %parallel_loop3A_239 = arith.constant 0.000000e+00 : f32
      %parallel_loop3A_240 = vector.broadcast %parallel_loop3A_239 : f32 to vector<16xf32>
      %parallel_loop3A_241 = arith.minimumf %parallel_loop3A_238, %parallel_loop3A_240 : vector<16xf32>
      %parallel_loop3A_242 = arith.addf %parallel_loop3A_186, %parallel_loop3A_241 : vector<16xf32>
      %parallel_loop3A_243 = arith.constant 0.000000e+00 : f32
      %parallel_loop3A_244 = vector.broadcast %parallel_loop3A_243 : f32 to vector<16xf32>
      %parallel_loop3A_245 = arith.cmpf olt, %parallel_loop3A_238, %parallel_loop3A_244 : vector<16xf32>
      %parallel_loop3A_246 = arith.constant 1.000000e+00 : f32
      %parallel_loop3A_247 = arith.constant 0.000000e+00 : f32
      %parallel_loop3A_248 = vector.broadcast %parallel_loop3A_246 : f32 to vector<16xf32>
      %parallel_loop3A_249 = vector.broadcast %parallel_loop3A_247 : f32 to vector<16xf32>
      %parallel_loop3A_250 = arith.select %parallel_loop3A_245, %parallel_loop3A_248, %parallel_loop3A_249 : vector<16xi1>, vector<16xf32>
      %parallel_loop3A_251 = arith.addf %parallel_loop3A_190, %parallel_loop3A_250 : vector<16xf32>
      %parallel_loop3A_252 = arith.constant 3 : i32
      %parallel_loop3A_253 = arith.addi %parallel_loop3A_183, %parallel_loop3A_252 : i32
      %parallel_loop3A_254 = arith.constant 16 : i32
      %parallel_loop3A_255 = arith.muli %parallel_loop3A_253, %parallel_loop3A_254 : i32
      %parallel_loop3A_256 = arith.index_cast %parallel_loop3A_255 : i32 to index
      %parallel_loop3A_257 = tpu.vector_load %arg4[%parallel_loop3A_256] {strides = array<i32>} : memref<31296xf32, #tpu.memory_space<vmem>>, vector<16xf32>,
      %parallel_loop3A_258 = vector.shape_cast %parallel_loop3A_257 : vector<16xf32> to vector<16xf32>
      %parallel_loop3A_259 = arith.constant 0.000000e+00 : f32
      %parallel_loop3A_260 = vector.broadcast %parallel_loop3A_259 : f32 to vector<16xf32>
      %parallel_loop3A_261 = arith.minimumf %parallel_loop3A_258, %parallel_loop3A_260 : vector<16xf32>
      %parallel_loop3A_262 = arith.addf %parallel_loop3A_187, %parallel_loop3A_261 : vector<16xf32>
      %parallel_loop3A_263 = arith.constant 0.000000e+00 : f32
      %parallel_loop3A_264 = vector.broadcast %parallel_loop3A_263 : f32 to vector<16xf32>
      %parallel_loop3A_265 = arith.cmpf olt, %parallel_loop3A_258, %parallel_loop3A_264 : vector<16xf32>
      %parallel_loop3A_266 = arith.constant 1.000000e+00 : f32
      %parallel_loop3A_267 = arith.constant 0.000000e+00 : f32
      %parallel_loop3A_268 = vector.broadcast %parallel_loop3A_266 : f32 to vector<16xf32>
      %parallel_loop3A_269 = vector.broadcast %parallel_loop3A_267 : f32 to vector<16xf32>
      %parallel_loop3A_270 = arith.select %parallel_loop3A_265, %parallel_loop3A_268, %parallel_loop3A_269 : vector<16xi1>, vector<16xf32>
      %parallel_loop3A_271 = arith.addf %parallel_loop3A_191, %parallel_loop3A_270 : vector<16xf32>
      scf.yield %parallel_loop3A_202, %parallel_loop3A_222, %parallel_loop3A_242, %parallel_loop3A_262, %parallel_loop3A_211, %parallel_loop3A_231, %parallel_loop3A_251, %parallel_loop3A_271 : vector<16xf32>, vector<16xf32>, vector<16xf32>, vector<16xf32>, vector<16xf32>, vector<16xf32>, vector<16xf32>, vector<16xf32>
    } {sc.loop_unroll_factor = 2 : i64, sc.parallel_access}
    %dma_wait3A_154 = arith.constant 27328 : i32
    %dma_wait3A_155 = tpu.memref_slice %arg4[%dma_wait3A_154] : memref<31296xf32, #tpu.memory_space<vmem>> -> memref<3920xf32, #tpu.memory_space<vmem>>
    %dma_wait3A_156 = tpu.memref_slice %arg2[%add3A_63] : memref<1000000xf32, #tpu.memory_space<hbm>> -> memref<3920xf32, #tpu.memory_space<hbm>>
    %dma_wait3A_157 = arith.constant 27328 : i32
    %dma_wait3A_158 = tpu.memref_slice %arg4[%dma_wait3A_157] : memref<31296xf32, #tpu.memory_space<vmem>> -> memref<3920xf32, #tpu.memory_space<vmem>>
    %dma_wait3A_159 = tpu.memref_slice %arg2[%add3A_63] : memref<1000000xf32, #tpu.memory_space<hbm>> -> memref<3920xf32, #tpu.memory_space<hbm>>
    tpu.wait_dma2 semaphore(%arg13 : memref<!tpu.dma_semaphore, #tpu.memory_space<semaphore_mem>>) src(%dma_wait3A_159 : memref<3920xf32, #tpu.memory_space<hbm>>) dst(%dma_wait3A_158 : memref<3920xf32, #tpu.memory_space<vmem>>)
    %lt3A_160 = arith.constant 4 : i32
    %lt3A_161 = arith.cmpi slt, %add3A, %lt3A_160 : i32
    %convert_element_type3A_162 = arith.extui %lt3A_161 : i1 to i32
    %cond3A_163 = arith.constant 0 : i32
    %cond3A_164 = arith.cmpi ne, %convert_element_type3A_162, %cond3A_163 : i32
    scf.if %cond3A_164 {
      %dma_wait3A_183 = arith.constant 31248 : i32
      %dma_wait3A_184 = tpu.memref_slice %arg4[%dma_wait3A_183] : memref<31296xf32, #tpu.memory_space<vmem>> -> memref<16xf32, #tpu.memory_space<vmem>>
      %dma_wait3A_185 = tpu.memref_slice %arg2[%add3A_71] : memref<1000000xf32, #tpu.memory_space<hbm>> -> memref<16xf32, #tpu.memory_space<hbm>>
      %dma_wait3A_186 = arith.constant 31248 : i32
      %dma_wait3A_187 = tpu.memref_slice %arg4[%dma_wait3A_186] : memref<31296xf32, #tpu.memory_space<vmem>> -> memref<16xf32, #tpu.memory_space<vmem>>
      %dma_wait3A_188 = tpu.memref_slice %arg2[%add3A_71] : memref<1000000xf32, #tpu.memory_space<hbm>> -> memref<16xf32, #tpu.memory_space<hbm>>
      tpu.wait_dma2 semaphore(%arg14 : memref<!tpu.dma_semaphore, #tpu.memory_space<semaphore_mem>>) src(%dma_wait3A_188 : memref<16xf32, #tpu.memory_space<hbm>>) dst(%dma_wait3A_187 : memref<16xf32, #tpu.memory_space<vmem>>)
    } else {
    }
    %parallel_loop3A_165 = arith.constant 1708 : i32
    %parallel_loop3A_166 = arith.constant 1956 : i32
    %parallel_loop3A_167 = arith.constant 4 : i32
    %parallel_loop3A_168:8 = scf.for %parallel_loop3A_183 = %parallel_loop3A_165 to %parallel_loop3A_166 step %parallel_loop3A_167 iter_args(%parallel_loop3A_184 = %parallel_loop3A_153#0, %parallel_loop3A_185 = %parallel_loop3A_153#1, %parallel_loop3A_186 = %parallel_loop3A_153#2, %parallel_loop3A_187 = %parallel_loop3A_153#3, %parallel_loop3A_188 = %parallel_loop3A_153#4, %parallel_loop3A_189 = %parallel_loop3A_153#5, %parallel_loop3A_190 = %parallel_loop3A_153#6, %parallel_loop3A_191 = %parallel_loop3A_153#7) -> (vector<16xf32>, vector<16xf32>, vector<16xf32>, vector<16xf32>, vector<16xf32>, vector<16xf32>, vector<16xf32>, vector<16xf32>)  : i32 {
      %parallel_loop3A_192 = arith.constant 0 : i32
      %parallel_loop3A_193 = arith.addi %parallel_loop3A_183, %parallel_loop3A_192 : i32
      %parallel_loop3A_194 = arith.constant 16 : i32
      %parallel_loop3A_195 = arith.muli %parallel_loop3A_193, %parallel_loop3A_194 : i32
      %parallel_loop3A_196 = arith.index_cast %parallel_loop3A_195 : i32 to index
      %parallel_loop3A_197 = tpu.vector_load %arg4[%parallel_loop3A_196] {strides = array<i32>} : memref<31296xf32, #tpu.memory_space<vmem>>, vector<16xf32>,
      %parallel_loop3A_198 = vector.shape_cast %parallel_loop3A_197 : vector<16xf32> to vector<16xf32>
      %parallel_loop3A_199 = arith.constant 0.000000e+00 : f32
      %parallel_loop3A_200 = vector.broadcast %parallel_loop3A_199 : f32 to vector<16xf32>
      %parallel_loop3A_201 = arith.minimumf %parallel_loop3A_198, %parallel_loop3A_200 : vector<16xf32>
      %parallel_loop3A_202 = arith.addf %parallel_loop3A_184, %parallel_loop3A_201 : vector<16xf32>
      %parallel_loop3A_203 = arith.constant 0.000000e+00 : f32
      %parallel_loop3A_204 = vector.broadcast %parallel_loop3A_203 : f32 to vector<16xf32>
      %parallel_loop3A_205 = arith.cmpf olt, %parallel_loop3A_198, %parallel_loop3A_204 : vector<16xf32>
      %parallel_loop3A_206 = arith.constant 1.000000e+00 : f32
      %parallel_loop3A_207 = arith.constant 0.000000e+00 : f32
      %parallel_loop3A_208 = vector.broadcast %parallel_loop3A_206 : f32 to vector<16xf32>
      %parallel_loop3A_209 = vector.broadcast %parallel_loop3A_207 : f32 to vector<16xf32>
      %parallel_loop3A_210 = arith.select %parallel_loop3A_205, %parallel_loop3A_208, %parallel_loop3A_209 : vector<16xi1>, vector<16xf32>
      %parallel_loop3A_211 = arith.addf %parallel_loop3A_188, %parallel_loop3A_210 : vector<16xf32>
      %parallel_loop3A_212 = arith.constant 1 : i32
      %parallel_loop3A_213 = arith.addi %parallel_loop3A_183, %parallel_loop3A_212 : i32
      %parallel_loop3A_214 = arith.constant 16 : i32
      %parallel_loop3A_215 = arith.muli %parallel_loop3A_213, %parallel_loop3A_214 : i32
      %parallel_loop3A_216 = arith.index_cast %parallel_loop3A_215 : i32 to index
      %parallel_loop3A_217 = tpu.vector_load %arg4[%parallel_loop3A_216] {strides = array<i32>} : memref<31296xf32, #tpu.memory_space<vmem>>, vector<16xf32>,
      %parallel_loop3A_218 = vector.shape_cast %parallel_loop3A_217 : vector<16xf32> to vector<16xf32>
      %parallel_loop3A_219 = arith.constant 0.000000e+00 : f32
      %parallel_loop3A_220 = vector.broadcast %parallel_loop3A_219 : f32 to vector<16xf32>
      %parallel_loop3A_221 = arith.minimumf %parallel_loop3A_218, %parallel_loop3A_220 : vector<16xf32>
      %parallel_loop3A_222 = arith.addf %parallel_loop3A_185, %parallel_loop3A_221 : vector<16xf32>
      %parallel_loop3A_223 = arith.constant 0.000000e+00 : f32
      %parallel_loop3A_224 = vector.broadcast %parallel_loop3A_223 : f32 to vector<16xf32>
      %parallel_loop3A_225 = arith.cmpf olt, %parallel_loop3A_218, %parallel_loop3A_224 : vector<16xf32>
      %parallel_loop3A_226 = arith.constant 1.000000e+00 : f32
      %parallel_loop3A_227 = arith.constant 0.000000e+00 : f32
      %parallel_loop3A_228 = vector.broadcast %parallel_loop3A_226 : f32 to vector<16xf32>
      %parallel_loop3A_229 = vector.broadcast %parallel_loop3A_227 : f32 to vector<16xf32>
      %parallel_loop3A_230 = arith.select %parallel_loop3A_225, %parallel_loop3A_228, %parallel_loop3A_229 : vector<16xi1>, vector<16xf32>
      %parallel_loop3A_231 = arith.addf %parallel_loop3A_189, %parallel_loop3A_230 : vector<16xf32>
      %parallel_loop3A_232 = arith.constant 2 : i32
      %parallel_loop3A_233 = arith.addi %parallel_loop3A_183, %parallel_loop3A_232 : i32
      %parallel_loop3A_234 = arith.constant 16 : i32
      %parallel_loop3A_235 = arith.muli %parallel_loop3A_233, %parallel_loop3A_234 : i32
      %parallel_loop3A_236 = arith.index_cast %parallel_loop3A_235 : i32 to index
      %parallel_loop3A_237 = tpu.vector_load %arg4[%parallel_loop3A_236] {strides = array<i32>} : memref<31296xf32, #tpu.memory_space<vmem>>, vector<16xf32>,
      %parallel_loop3A_238 = vector.shape_cast %parallel_loop3A_237 : vector<16xf32> to vector<16xf32>
      %parallel_loop3A_239 = arith.constant 0.000000e+00 : f32
      %parallel_loop3A_240 = vector.broadcast %parallel_loop3A_239 : f32 to vector<16xf32>
      %parallel_loop3A_241 = arith.minimumf %parallel_loop3A_238, %parallel_loop3A_240 : vector<16xf32>
      %parallel_loop3A_242 = arith.addf %parallel_loop3A_186, %parallel_loop3A_241 : vector<16xf32>
      %parallel_loop3A_243 = arith.constant 0.000000e+00 : f32
      %parallel_loop3A_244 = vector.broadcast %parallel_loop3A_243 : f32 to vector<16xf32>
      %parallel_loop3A_245 = arith.cmpf olt, %parallel_loop3A_238, %parallel_loop3A_244 : vector<16xf32>
      %parallel_loop3A_246 = arith.constant 1.000000e+00 : f32
      %parallel_loop3A_247 = arith.constant 0.000000e+00 : f32
      %parallel_loop3A_248 = vector.broadcast %parallel_loop3A_246 : f32 to vector<16xf32>
      %parallel_loop3A_249 = vector.broadcast %parallel_loop3A_247 : f32 to vector<16xf32>
      %parallel_loop3A_250 = arith.select %parallel_loop3A_245, %parallel_loop3A_248, %parallel_loop3A_249 : vector<16xi1>, vector<16xf32>
      %parallel_loop3A_251 = arith.addf %parallel_loop3A_190, %parallel_loop3A_250 : vector<16xf32>
      %parallel_loop3A_252 = arith.constant 3 : i32
      %parallel_loop3A_253 = arith.addi %parallel_loop3A_183, %parallel_loop3A_252 : i32
      %parallel_loop3A_254 = arith.constant 16 : i32
      %parallel_loop3A_255 = arith.muli %parallel_loop3A_253, %parallel_loop3A_254 : i32
      %parallel_loop3A_256 = arith.index_cast %parallel_loop3A_255 : i32 to index
      %parallel_loop3A_257 = tpu.vector_load %arg4[%parallel_loop3A_256] {strides = array<i32>} : memref<31296xf32, #tpu.memory_space<vmem>>, vector<16xf32>,
      %parallel_loop3A_258 = vector.shape_cast %parallel_loop3A_257 : vector<16xf32> to vector<16xf32>
      %parallel_loop3A_259 = arith.constant 0.000000e+00 : f32
      %parallel_loop3A_260 = vector.broadcast %parallel_loop3A_259 : f32 to vector<16xf32>
      %parallel_loop3A_261 = arith.minimumf %parallel_loop3A_258, %parallel_loop3A_260 : vector<16xf32>
      %parallel_loop3A_262 = arith.addf %parallel_loop3A_187, %parallel_loop3A_261 : vector<16xf32>
      %parallel_loop3A_263 = arith.constant 0.000000e+00 : f32
      %parallel_loop3A_264 = vector.broadcast %parallel_loop3A_263 : f32 to vector<16xf32>
      %parallel_loop3A_265 = arith.cmpf olt, %parallel_loop3A_258, %parallel_loop3A_264 : vector<16xf32>
      %parallel_loop3A_266 = arith.constant 1.000000e+00 : f32
      %parallel_loop3A_267 = arith.constant 0.000000e+00 : f32
      %parallel_loop3A_268 = vector.broadcast %parallel_loop3A_266 : f32 to vector<16xf32>
      %parallel_loop3A_269 = vector.broadcast %parallel_loop3A_267 : f32 to vector<16xf32>
      %parallel_loop3A_270 = arith.select %parallel_loop3A_265, %parallel_loop3A_268, %parallel_loop3A_269 : vector<16xi1>, vector<16xf32>
      %parallel_loop3A_271 = arith.addf %parallel_loop3A_191, %parallel_loop3A_270 : vector<16xf32>
      scf.yield %parallel_loop3A_202, %parallel_loop3A_222, %parallel_loop3A_242, %parallel_loop3A_262, %parallel_loop3A_211, %parallel_loop3A_231, %parallel_loop3A_251, %parallel_loop3A_271 : vector<16xf32>, vector<16xf32>, vector<16xf32>, vector<16xf32>, vector<16xf32>, vector<16xf32>, vector<16xf32>, vector<16xf32>
    } {sc.loop_unroll_factor = 2 : i64, sc.parallel_access}
    %add3A_169 = arith.addf %parallel_loop3A_168#0, %parallel_loop3A_168#1 : vector<16xf32>
    %add3A_170 = arith.addf %parallel_loop3A_168#2, %parallel_loop3A_168#3 : vector<16xf32>
    %add3A_171 = arith.addf %add3A_169, %add3A_170 : vector<16xf32>
    %add3A_172 = arith.addf %parallel_loop3A_168#4, %parallel_loop3A_168#5 : vector<16xf32>
    %add3A_173 = arith.addf %parallel_loop3A_168#6, %parallel_loop3A_168#7 : vector<16xf32>
    %add3A_174 = arith.addf %add3A_172, %add3A_173 : vector<16xf32>
    %swap3A_175 = arith.constant 0 : index
    %swap3A_176 = tpu.vector_load %arg5[%swap3A_175] {strides = array<i32>} : memref<32xf32, #tpu.memory_space<vmem>>, vector<16xf32>,
    %swap3A_177 = vector.shape_cast %swap3A_176 : vector<16xf32> to vector<16xf32>
    %swap3A_178 = vector.shape_cast %add3A_171 : vector<16xf32> to vector<16xf32>
    tpu.vector_store %arg5[%swap3A_175], %swap3A_178 {strides = array<i32>} : memref<32xf32, #tpu.memory_space<vmem>>, vector<16xf32>,
    %swap3A_179 = arith.constant 16 : index
    %swap3A_180 = tpu.vector_load %arg5[%swap3A_179] {strides = array<i32>} : memref<32xf32, #tpu.memory_space<vmem>>, vector<16xf32>,
    %swap3A_181 = vector.shape_cast %swap3A_180 : vector<16xf32> to vector<16xf32>
    %swap3A_182 = vector.shape_cast %add3A_174 : vector<16xf32> to vector<16xf32>
    tpu.vector_store %arg5[%swap3A_179], %swap3A_182 {strides = array<i32>} : memref<32xf32, #tpu.memory_space<vmem>>, vector<16xf32>,
    "tpu.region"() ({
      %run_scoped3A = tpu.sem_alloc : memref<!tpu.dma_semaphore, #tpu.memory_space<semaphore_mem>>
      %dma_start3A_183 = arith.constant 0 : i32
      %dma_start3A_184 = tpu.memref_slice %arg3[%add3A, %dma_start3A_183] : memref<32x32xf32, #tpu.memory_space<hbm>> -> memref<1x32xf32, #tpu.memory_space<hbm>>
      %dma_start3A_185 = tpu.memref_squeeze %dma_start3A_184 : memref<1x32xf32, #tpu.memory_space<hbm>> -> memref<32xf32, #tpu.memory_space<hbm>>
      %dma_start3A_186 = arith.constant 0 : i32
      %dma_start3A_187 = tpu.memref_slice %arg3[%add3A, %dma_start3A_186] : memref<32x32xf32, #tpu.memory_space<hbm>> -> memref<1x32xf32, #tpu.memory_space<hbm>>
      %dma_start3A_188 = tpu.memref_squeeze %dma_start3A_187 : memref<1x32xf32, #tpu.memory_space<hbm>> -> memref<32xf32, #tpu.memory_space<hbm>>
      tpu.enqueue_dma source(%arg5 : memref<32xf32, #tpu.memory_space<vmem>>) target(%dma_start3A_188 : memref<32xf32, #tpu.memory_space<hbm>>) target_semaphore(%run_scoped3A : memref<!tpu.dma_semaphore, #tpu.memory_space<semaphore_mem>>)
      %dma_wait3A_189 = arith.constant 0 : i32
      %dma_wait3A_190 = tpu.memref_slice %arg3[%add3A, %dma_wait3A_189] : memref<32x32xf32, #tpu.memory_space<hbm>> -> memref<1x32xf32, #tpu.memory_space<hbm>>
      %dma_wait3A_191 = tpu.memref_squeeze %dma_wait3A_190 : memref<1x32xf32, #tpu.memory_space<hbm>> -> memref<32xf32, #tpu.memory_space<hbm>>
      %dma_wait3A_192 = arith.constant 0 : i32
      %dma_wait3A_193 = tpu.memref_slice %arg3[%add3A, %dma_wait3A_192] : memref<32x32xf32, #tpu.memory_space<hbm>> -> memref<1x32xf32, #tpu.memory_space<hbm>>
      %dma_wait3A_194 = tpu.memref_squeeze %dma_wait3A_193 : memref<1x32xf32, #tpu.memory_space<hbm>> -> memref<32xf32, #tpu.memory_space<hbm>>
      tpu.wait_dma2 semaphore(%run_scoped3A : memref<!tpu.dma_semaphore, #tpu.memory_space<semaphore_mem>>) src(%arg5 : memref<32xf32, #tpu.memory_space<vmem>>) dst(%dma_wait3A_194 : memref<32xf32, #tpu.memory_space<hbm>>)
      tpu.yield
    }) : () -> ()
    return
  }
}

</mosaic_0001>

<sc_bundles>
// kernel: kernel.3.cloned.1.call-start
scs
__scs_entry_jumppad:
0x0: {  	(pc) =	sbr.rel $0x88, $3  }
0x1: {  	(tag) =	ssettag $0x0;
	lr =	simm.s32 $0x1  }
0x2: {  	[smem:$0x3FA0] =	sst lr;
	_ =	strace $0xD0000000  }
0x3: {  	_ = 	snop  }
0x4: {  	_ = 	snop  }
0x5: {  	_ = 	snop  }
0x6: {  	_ = 	snop  }
0x7: {  	_ = 	snop  }
__scs_overlays_trampoline_lowered:
0x8: {  	[smem:$0x3FAF] =	sst s0  }
0x9: {  	[smem:$0x3FB0] =	sst s1  }
0xa: {  	[smem:$0x3FB1] =	sst s2  }
0xb: {  	[smem:$0x3FB2] =	sst s3  }
0xc: {  	[smem:$0x3FB3] =	sst s4  }
0xd: {  	[smem:$0x3FB4] =	sst s5  }
0xe: {  	[smem:$0x3FB5] =	sst s6  }
0xf: {  	[smem:$0x3FB6] =	sst s7  }
0x10: {  	[smem:$0x3FB7] =	sst s8  }
0x11: {  	[smem:$0x3FB8] =	sst s9;
	s0 =	simm.s32 @!p0 $0x0  }
0x12: {  	s1 =	sld [smem:$0x3F9E];
	s0 =	simm.s32 @p0 $0x1  }
0x13: {  	[smem:$0x3FB9] =	sst s0;
	s0 =	simm.s32 @!p1 $0x0  }
0x14: {  	s2 =	sld [smem:$0x3F9D];
	s0 =	simm.s32 @p1 $0x1  }
0x15: {  	[smem:$0x3FBA] =	sst s0;
	s0 =	simm.s32 @!p2 $0x0  }
0x16: {  	s3 =	sld [smem:$0x3FDB];
	s0 =	simm.s32 @p2 $0x1  }
0x17: {  	s4 =	simm.s32 $0x1BF5;
	[smem:$0x3FBC] =	sst s0  }
0x18: {  	s0 =	sld [smem:$0x3F9F];
	_ =	swait.ge [sflag:s4], $0x0  }
0x19: {  	s7 =	sld [smem:$0x3FA0]  }
0x1a: {  	s8 =	sadd.s32 $0xFFFFE003, lr  }
0x1b: {  	s9 =	sadd.s32 $0xFFFFFEF7, lr;
	s5 =	simm.s32 $0xFFFFFFFF;
	p2 =	slt.u32 s8, $0xFFFFF086  }
0x1c: {  	p1 =	slt.u32 s9, $0xF7A;
	s5 =	simm.s32 @!p2 $0x0  }
0x1d: {  	s5 =	simm.s32 @p1 $0x1;
	p0 =	seq.s32 s7, s2  }
0x1e: {  	s7 =	smul.u32 @!p0 $0xF7A, s2;
	p2 =	seq.s32 @!p0 s5, $0x0  }
0x1f: {  	s9 =	smul.u32 $0xF7A, s1;
	s8 =	simm.s32 @!p0 $0x1BF5;
	p2 =	por !p2, p0  }
0x20: {  	[sflag:s8] =	ssyncset.s32 @!p0 $0xFFFFF086;
	s6 =	sadd.s32 @!p0 s3, s7;
	s7 =	simm.s32 @!p0 $0x108  }
0x21: {  	s3 =	sadd.s32 s3, s9;
	s6 =	sadd.s32 @!p0 $0x88, s6;
	s7 =	simm.s32 @p2 $0x1082  }
0x22: {  	[simem:s7], [sflag:s8] =	dma.local @!p0 [hbm:s6], $0xF7A  }
0x23: {  	s9 =	sor.u32 $0xD0000000, s2;
	s6 =	simm.s32 $0x108;
	_ =	swait.ge @!p0 [sflag:s8], $0x0  }
0x24: {  	s3 =	sadd.s32 $0x88, s3;
	s6 =	simm.s32 @!p1 $0x1082;
	[sflag:s4] =	ssyncset.s32 $0xFFFFF086  }
0x25: {  	[simem:s6], [sflag:s4] =	dma.local [hbm:s3], $0xF7A  }
0x26: {  	[smem:$0x3FA0] =	sst s1;
	(tag) =	ssettag s2;
	_ =	strace s9  }
0x27: {  	s1 =	sld [smem:$0x3FB0]  }
0x28: {  	s2 =	sld [smem:$0x3FB1]  }
0x29: {  	s4 =	sld [smem:$0x3FB3]  }
0x2a: {  	p0 =	seq.s32 s5, $0x0;
	s5 =	sld [smem:$0x3FB4]  }
0x2b: {  	s6 =	sld [smem:$0x3FB5]  }
0x2c: {  	s7 =	sld [smem:$0x3FB6]  }
0x2d: {  	s3 =	simm.s32 $0x108;
	s8 =	sld [smem:$0x3FB7]  }
0x2e: {  	s3 =	simm.s32 @!p0 $0x1082;
	s9 =	sld [smem:$0x3FB8]  }
0x2f: {  	lr =	sadd.s32 s0, s3;
	s0 =	sld [smem:$0x3FAF]  }
0x30: {  	s3 =	sld [smem:$0x3FB2]  }
0x31: {  	[smem:$0x3FBB] =	sst s10  }
0x32: {  	s10 =	sld [smem:$0x3FB9];
	_ =	sdelay $0x3  }
0x33: {  	p0 =	seq.s32 s10, $0x1;
	s10 =	sld [smem:$0x3FBB];
	_ =	sdelay $0x3  }
0x34: {  	[smem:$0x3FBB] =	sst s10  }
0x35: {  	s10 =	sld [smem:$0x3FBA];
	_ =	sdelay $0x3  }
0x36: {  	p1 =	seq.s32 s10, $0x1;
	s10 =	sld [smem:$0x3FBB];
	_ =	sdelay $0x3  }
0x37: {  	[smem:$0x3FBB] =	sst s10  }
0x38: {  	s10 =	sld [smem:$0x3FBC]  }
0x39: {  	_ = 	snop;
	(pc) =	sbr.ind lr, $3  }
0x3a: {  	_ = 	snop  }
0x3b: {  	_ = 	snop  }
0x3c: {  	p2 =	seq.s32 s10, $0x1;
	s10 =	sld [smem:$0x3FBB]  }
0x3d: {  	_ =	shalt  }
0x3e: {  	_ =	shalt  }
0x3f: {  	_ =	shalt  }
0x40: {  	_ =	shalt  }
0x41: {  	_ =	shalt  }
0x42: {  	_ =	shalt  }
0x43: {  	_ =	shalt  }
0x44: {  	_ =	shalt  }
0x45: {  	_ =	shalt  }
0x46: {  	_ =	shalt  }
0x47: {  	_ =	shalt  }
0x48: {  	_ =	shalt  }
0x49: {  	_ =	shalt  }
0x4a: {  	_ =	shalt  }
0x4b: {  	_ =	shalt  }
0x4c: {  	_ =	shalt  }
0x4d: {  	_ =	shalt  }
0x4e: {  	_ =	shalt  }
0x4f: {  	_ =	shalt  }
0x50: {  	_ =	shalt  }
0x51: {  	_ =	shalt  }
0x52: {  	_ =	shalt  }
0x53: {  	_ =	shalt  }
0x54: {  	_ =	shalt  }
0x55: {  	_ =	shalt  }
0x56: {  	_ =	shalt  }
0x57: {  	_ =	shalt  }
0x58: {  	_ =	shalt  }
0x59: {  	_ =	shalt  }
0x5a: {  	_ =	shalt  }
0x5b: {  	_ =	shalt  }
0x5c: {  	_ =	shalt  }
0x5d: {  	_ =	shalt  }
0x5e: {  	_ =	shalt  }
0x5f: {  	_ =	shalt  }
0x60: {  	_ =	shalt  }
0x61: {  	_ =	shalt  }
0x62: {  	_ =	shalt  }
0x63: {  	_ =	shalt  }
0x64: {  	_ =	shalt  }
0x65: {  	_ =	shalt  }
0x66: {  	_ =	shalt  }
0x67: {  	_ =	shalt  }
0x68: {  	_ =	shalt  }
0x69: {  	_ =	shalt  }
0x6a: {  	_ =	shalt  }
0x6b: {  	_ =	shalt  }
0x6c: {  	_ =	shalt  }
0x6d: {  	_ =	shalt  }
0x6e: {  	_ =	shalt  }
0x6f: {  	_ =	shalt  }
0x70: {  	_ =	shalt  }
0x71: {  	_ =	shalt  }
0x72: {  	_ =	shalt  }
0x73: {  	_ =	shalt  }
0x74: {  	_ =	shalt  }
0x75: {  	_ =	shalt  }
0x76: {  	_ =	shalt  }
0x77: {  	_ =	shalt  }
0x78: {  	_ =	shalt  }
0x79: {  	_ =	shalt  }
0x7a: {  	_ =	shalt  }
0x7b: {  	_ =	shalt  }
0x7c: {  	_ =	shalt  }
0x7d: {  	_ =	shalt  }
0x7e: {  	_ =	shalt  }
0x7f: {  	_ =	shalt  }
0x80: {  	_ =	shalt  }
0x81: {  	_ =	shalt  }
0x82: {  	_ =	shalt  }
0x83: {  	_ =	shalt  }
0x84: {  	_ =	shalt  }
0x85: {  	_ =	shalt  }
0x86: {  	_ =	shalt  }
0x87: {  	_ =	shalt  }
.Lfunc_end0:
.L_simem_size_0:
called_computation_lowered:
.L_overlay_start_0:
0x88: {  	s2 =	sld [smem:$0x3FD9]  }
0x89: {  	s3 =	sld [smem:$0x3FFE];
	_ =	sdelay $0x1  }
0x8a: {  	s1 =	srdreg.scid  }
0x8b: {  	s0 =	sand.u32 $0x1, s1  }
0x8c: {  	s17 =	sshll.u32 s0, $0xA;
	s2 =	sadd.s32 s3, s2  }
0x8d: {  	s2 =	sadd.s32 s2, s17  }
0x8e: {  	[smem:$0x3FC7] =	sst s2  }
0x8f: {  	_ = 	snop  }
0x90: {  	s2 =	sld [smem:$0x3FC9];
	(tm) =	ssettm $0x1  }
0x91: {  	s18 =	sld [smem:$0x3FFB];
	_ =	sdelay $0x3  }
0x92: {  	_ =	strace s18  }
0x93: {  	s3 =	sld [smem:$0x3FFC];
	_ =	sdelay $0x3  }
0x94: {  	_ =	strace s3  }
0x95: {  	s3 =	sld [smem:$0x3FFD];
	_ =	sdelay $0x3  }
0x96: {  	_ =	strace s3  }
0x97: {  	_ =	strace $0x8FFFFFFF  }
0x98: {  	s19 =	sld [smem:$0x3FDB];
	_ =	sdelay $0x1  }
0x99: {  	s4 =	simm.s32 $_scs_section_size  }
0x9a: {  	s5 =	simm.s32 $_size__tile_overlayer_lowered;
	s6 =	simm.s32 $_tile_overlayer_lowered  }
0x9b: {  	s22 =	simm.s32 $0x1BFF;
	s21 =	sshll.u32 s6, $0x1;
	s3 =	sadd.s32 s4, s19  }
0x9c: {  	s7 =	simm.s32 $0x0;
	s20 =	sshll.u32 s5, $0x1;
	s5 =	sadd.s32 s21, s3  }
0x9d: {  	[timem:s7], [sflag:s22] =	dma.local [hbm:s5], s20  }
0x9e: {  	_ =	swait.ge [sflag:s22], s20  }
0x9f: {  	s4 =	ssub.s32 $0x0, s20;
	[sflag:s22] =	ssyncset.done $0x0  }
0xa0: {  	[sflag:s22] =	ssyncadd.s32 s4;
	_ =	sdelay $0x1  }
0xa1: {  	s23 =	simm.s32 $0x1B8B  }
0xa2: {  	_ =	swait.ge [sflag:s23], $0x1  }
0xa3: {  	[sflag:s23] =	ssyncset.done $0x0  }
0xa4: {  	s25 =	simm.s32 $0x1B8E;
	s24 =	sld [smem:$0x3FFE];
	[sflag:s23] =	ssyncadd.s32 $0xFFFFFFFF  }
0xa5: {  	s26 =	simm.s32 $execute0_lowered;
	[smem:$0x3FD2] =	sst s25  }
0xa6: {  	s5 =	sshll.u32 s26, $0x1;
	_ =	strace $0x80000046;
	[dreg:$0x1] =	wrdreg $0xFFFFFFFF  }
0xa7: {  	s28 =	simm.s32 $_size_execute0_lowered;
	s3 =	sadd.s32 s3, s5;
	[dreg:$0x0] =	wrdreg $0x0  }
0xa8: {  	s5 =	sshll.u32 s28, $0x1;
	[dreg:$0x2] =	wrdreg s3  }
0xa9: {  	[dreg:$0x3] =	wrdreg s5  }
0xaa: {  	[dreg:$0x4] =	wrdreg $0xC0  }
0xab: {  	_ =	task [dreg:s7], $0x5FFFF  }
0xac: {  	[dreg:$0x1] =	wrdreg $0xFFFFFFFF  }
0xad: {  	[dreg:$0x0] =	wrdreg $0x60  }
0xae: {  	[dreg:$0x2] =	wrdreg s2  }
0xaf: {  	[dreg:$0x3] =	wrdreg s24  }
0xb0: {  	[dreg:$0x4] =	wrdreg $0x9  }
0xb1: {  	_ =	task.clear_ibuf [dreg:s7], $0x5FFFF;
	_ =	strace $0x90000046  }
0xb2: {  	s29 =	simm.s32 $0x9;
	_ =	strace $0x80000048  }
0xb3: {  	_ =	swait.ge [sflag:s29], $0x1  }
0xb4: {  	[sflag:s29] =	ssyncadd.s32 $0xFFFFFFFF  }
0xb5: {  	_ =	strace $0x90000048  }
0xb6: {  	_ =	sfence  }
0xb7: {  	s30 =	sld [smem:$0x0];
	_ =	sdelay $0x2  }
0xb8: {  	s31 =	sshll.u32 s1, $0xD;
	s1 =	sshrl.u32 s1, $0x2  }
0xb9: {  	s3 =	sand.u32 $0x4000, s31;
	s1 =	sadd.s32 s1, s30  }
0xba: {  	s0 =	sor.u32 s3, s0;
	s1 =	sshll.u32 s1, $0x11  }
0xbb: {  	s0 =	sor.u32 s1, s0  }
0xbc: {  	s0 =	sadd.s32 $0x8F2B, s0  }
0xbd: {  	[sflag:s0] =	ssyncadd.remote.s32 $0x1  }
0xbe: {  	_ =	sfence.sel $0xFFFF  }
0xbf: {  	[dreg:$0x0] =	wrdreg $0xFFFFFFFF;
	(pc) =	sbr.abs _section_cstart, $3  }
0xc0: {  	[dreg:$0x1] =	wrdreg $0xFFFFFFFF  }
0xc1: {  	_ =	task.clear_ibuf [dreg:s7], $0x2FFFF;
	_ =	strace $0x9FFFFFFF  }
0xc2: {  	(tm) =	ssettm $0x7FFFFFFF  }
0xc3: {  	_ =	shalt  }
tec
execute0_lowered:
.L_overlay_start_1:
0x0: {  	(tag) =	ssettag $0x1  }
0x1: {  	s0 =	srdreg.scid;
	s3 =	rddreg [dreg:$0x0]  }
0x2: {  	s14 =	stileid.u32;
	s12 =	rddreg [dreg:$0x1];
	s2 =	simm.s32 $0x0  }
0x3: {  	s15 =	simm.s32 $0x1E80;
	s16 =	simm.s32 $0x2DC0;
	s17 =	simm.s32 $0x3D00  }
0x4: {  	s18 =	simm.s32 $0x4C40;
	s19 =	simm.s32 $0x5B80;
	s20 =	simm.s32 $0x6AC0  }
0x5: {  	s21 =	simm.s32 $0x1;
	s22 =	simm.s32 $0x2;
	s23 =	simm.s32 $0x3  }
0x6: {  	s24 =	simm.s32 $0x4;
	s25 =	simm.s32 $0x5;
	s28 =	simm.s32 $0x7  }
0x7: {  	s29 =	simm.s32 $0x8;
	s0 =	sand.u32 $0x1, s0;
	s1 =	sshll.u32 s14, $0x1  }
0x8: {  	s30 =	simm.s32 $0x7A80;
	s31 =	simm.s32 $0xA;
	s1 =	sor.u32 s0, s1  }
0x9: {  	[smem:$0x7FF] =	sst s2;
	p0 =	sgt.u32 s14, $0x1;
	s4 =	smul.u32 $0x7A1, s1  }
0xa: {  	s0 =	ssub.s32 $0x2, s0;
	_ =	strace $0x80000047;
	s5 =	smin.u32 s1, $0x4  }
0xb: {  	s26 =	sshrl.u32 s0, $0x1;
	s1 =	sshll.u32 s1, $0x4;
	s4 =	sadd.s32 s5, s4  }
0xc: {  	s0 =	ssub.s32 s0, s26;
	s12 =	sadd.s32 s12, s1;
	s4 =	sshll.u32 s4, $0x1  }
0xd: {  	s26 =	simm.s32 $0x6;
	s1 =	simm.s32 $0x0;
	s3 =	sadd.s32 s3, s4  }
0xe: {  	s13 =	smax.u32 s0, $0x1;
	s4 =	sadd.s32 $0x1E8, s3;
	s5 =	sadd.s32 $0x3D0, s3  }
0xf: {  	s6 =	sadd.s32 $0x5B8, s3;
	s7 =	sadd.s32 $0x7A0, s3;
	s8 =	sadd.s32 $0x988, s3  }
0x10: {  	v0 =	vimm.f32 $0.0e+00;
	s9 =	sadd.s32 $0xB70, s3;
	s10 =	sadd.s32 $0xD58, s3;
	s11 =	sadd.s32 $0xF42, s3  }
.LBB2_1:
0x11: {  	[tilespmem:s2], [sflag:$0x1] =	stream.linear.gather [hbm4b:s3+s2], $0xF40, $0x38;
	[tilespmem:$0x7B00] =	vst v63  }
0x12: {  	s0 =	simm.s32 $0xF40  }
0x13: {  	[tilespmem:s0], [sflag:$0x2] =	stream.linear.gather [hbm4b:s4+s2], $0xF40, $0x38;
	[tilespmem:$0x7B00] =	vst v63  }
0x14: {  	_ = 	snop  }
0x15: {  	[tilespmem:s15], [sflag:$0x3] =	stream.linear.gather [hbm4b:s5+s2], $0xF40, $0x38;
	[tilespmem:$0x7B00] =	vst v63  }
0x16: {  	_ = 	snop  }
0x17: {  	[tilespmem:s16], [sflag:$0x4] =	stream.linear.gather [hbm4b:s6+s2], $0xF40, $0x38;
	[tilespmem:$0x7B00] =	vst v63  }
0x18: {  	_ = 	snop  }
0x19: {  	[tilespmem:s17], [sflag:$0x5] =	stream.linear.gather [hbm4b:s7+s2], $0xF40, $0x38;
	[tilespmem:$0x7B00] =	vst v63  }
0x1a: {  	_ = 	snop  }
0x1b: {  	[tilespmem:s18], [sflag:$0x6] =	stream.linear.gather [hbm4b:s8+s2], $0xF40, $0x38;
	[tilespmem:$0x7B00] =	vst v63  }
0x1c: {  	_ = 	snop  }
0x1d: {  	[tilespmem:s19], [sflag:$0x7] =	stream.linear.gather [hbm4b:s9+s2], $0xF40, $0x38;
	[tilespmem:$0x7B00] =	vst v63  }
0x1e: {  	_ = 	snop  }
0x1f: {  	v1 =	vimm.f32 @p0 $0.0e+00;
	[tilespmem:s20], [sflag:$0x8] =	stream.linear.gather [hbm4b:s10+s2], $0xF50, $0x38;
	[tilespmem:$0x7B00] =	vst v63  }
0x20: {  	[tilespmem:$0x7A20] =	vst @p0 v1  }
0x21: {  	[tilespmem:$0x7A30] =	vst @p0 v1  }
0x22: {  	s14 =	simm.s32 @!p0 $0x7A10;
	s0 =	simm.s32 @!p0 $0x0;
	[tilespmem:$0x7A10] =	vst @p0 v1  }
0x23: {  	v1 =	vimm.f32 @!p0 $0.0e+00;
	[tilespmem:s14], [sflag:$0x9] =	stream.linear.gather @!p0 [hbm4b:s11+s0], $0x10, $0x38;
	[tilespmem:$0x7B00] =	vst v63  }
0x24: {  	[tilespmem:$0x7A20] =	vst @!p0 v1  }
0x25: {  	[tilespmem:$0x7A30] =	vst @!p0 v1  }
0x26: {  	_ =	swait.ge [sflag:s21], $0xF40  }
0x27: {  	[sflag:s21] =	ssyncset.done $0x0  }
0x28: {  	s14 =	simm.s32 $0x20;
	[sflag:s21] =	ssyncadd.s32 $0xFFFFF0C0  }
0x29: {  	v1 =	vld [tilespmem:s14+$0xFFFFFFE0]  }
0x2a: {  	v3 =	vld [tilespmem:s14+$0xFFFFFFF0];
	_ =	sdelay $0x1  }
0x2b: {  	v2 =	vld [tilespmem:s14+$0x10];
	_ =	sdelay $0x1  }
0x2c: {  	v4 =	vld [tilespmem:s14+$0x0];
	s14 =	simm.s32 $0x60  }
0x2d: {  	v8 =	vld [tilespmem:s14+$0xFFFFFFE0];
	vm0 =	vlt.f32 v1, $0.0e+00;
	v6 =	vmin.f32 v3, $0.0e+00  }
0x2e: {  	v10 =	vld [tilespmem:s14+$0x10];
	vm1 =	vlt.f32 v3, $0.0e+00;
	v1 =	vmin.f32 v1, $0.0e+00;
	v7 =	vsel vm0, $0x3F800000, v0  }
0x2f: {  	vm0 =	vlt.f32 v2, $0.0e+00;
	v2 =	vmin.f32 v2, $0.0e+00;
	v3 =	vadd.f32 v1, v0  }
0x30: {  	v12 =	vimm.f32 $0.0e+00;
	v9 =	vld [tilespmem:s14+$0x0];
	v5 =	vadd.f32 v2, v0;
	v2 =	vadd.f32 v6, v0  }
0x31: {  	v14 =	vld [tilespmem:s14+$0xFFFFFFF0];
	v6 =	vsel vm1, $0x3F800000, v0;
	vm1 =	vlt.f32 v4, $0.0e+00;
	v11 =	vsel vm0, $0x3F800000, v0  }
0x32: {  	vm0 =	vlt.f32 v8, $0.0e+00;
	v1 =	vadd.f32 v6, v0;
	v6 =	vmin.f32 v4, $0.0e+00  }
0x33: {  	v13 =	vsel vm0, $0x3F800000, v0;
	vm0 =	vlt.f32 v10, $0.0e+00;
	v15 =	vsel vm1, $0x3F800000, v0  }
0x34: {  	s0 =	simm.s32 $0x4;
	s14 =	simm.s32 $0xA0;
	v4 =	vadd.f32 v6, v0;
	v6 =	vadd.f32 v11, v0;
	v11 =	vimm.f32 $0.0e+00  }
.LBB2_2:
0x35: {  	v16 =	vld [tilespmem:s14+$0xFFFFFFE0];
	s0 =	sadd.s32 $0x4, s0;
	v17 =	vmin.f32 v10, $0.0e+00;
	v11 =	vadd.f32 v7, v11;
	v12 =	vadd.f32 v15, v12;
	v15 =	vmovc v9;
	v7 =	vmovc v13  }
0x36: {  	v10 =	vld [tilespmem:s14+$0x10];
	p1 =	slt.u32 s0, $0xF0;
	v13 =	vmin.f32 v14, $0.0e+00;
	vm1 =	vlt.f32 v14, $0.0e+00;
	v5 =	vadd.f32 v17, v5  }
.Ltmp0:
0x37: {  	v8 =	vmin.f32 v8, $0.0e+00;
	v9 =	vld [tilespmem:s14+$0x0];
	v2 =	vadd.f32 v13, v2;
	v13 =	vsel vm1, $0x3F800000, v0;
	(pc) =	sbr.rel @p1 .LBB2_2-.Ltmp0, $4  }
0x38: {  	v3 =	vadd.f32 v8, v3;
	v14 =	vld [tilespmem:s14+$0xFFFFFFF0];
	v1 =	vadd.f32 v13, v1  }
0x39: {  	v17 =	vmin.f32 v15, $0.0e+00;
	vm1 =	vlt.f32 v15, $0.0e+00;
	v13 =	vsel vm0, $0x3F800000, v0  }
0x3a: {  	v4 =	vadd.f32 v17, v4;
	v6 =	vadd.f32 v13, v6;
	vm0 =	vlt.f32 v16, $0.0e+00;
	v8 =	vmovc v16  }
0x3b: {  	s14 =	sadd.s32 $0x40, s14;
	v15 =	vsel vm1, $0x3F800000, v0;
	v13 =	vsel vm0, $0x3F800000, v0;
	vm0 =	vlt.f32 v10, $0.0e+00  }
0x3c: {  	_ =	swait.ge [sflag:s22], $0xF40  }
0x3d: {  	[sflag:s22] =	ssyncset.done $0x0  }
0x3e: {  	v10 =	vmin.f32 v10, $0.0e+00;
	s0 =	simm.s32 $0xF70;
	[sflag:s22] =	ssyncadd.s32 $0xFFFFF0C0  }
0x3f: {  	v7 =	vadd.f32 v7, v11;
	v11 =	vadd.f32 v15, v12;
	v8 =	vmin.f32 v8, $0.0e+00;
	v15 =	vld [tilespmem:s0+$0xFFFFFFD0]  }
0x40: {  	v12 =	vmin.f32 v14, $0.0e+00;
	vm1 =	vlt.f32 v14, $0.0e+00;
	v5 =	vadd.f32 v10, v5;
	v14 =	vld [tilespmem:s0+$0x0]  }
0x41: {  	v8 =	vadd.f32 v8, v3;
	v16 =	vadd.f32 v12, v2;
	v2 =	vsel vm1, $0x3F800000, v0;
	v3 =	vld [tilespmem:s0+$0xFFFFFFE0]  }
0x42: {  	v17 =	vadd.f32 v2, v1;
	v1 =	vmin.f32 v9, $0.0e+00;
	v2 =	vsel vm0, $0x3F800000, v0  }
0x43: {  	vm0 =	vlt.f32 v9, $0.0e+00;
	v18 =	vadd.f32 v1, v4;
	v1 =	vadd.f32 v13, v7;
	v7 =	vld [tilespmem:s0+$0xFFFFFFF0]  }
0x44: {  	v19 =	vadd.f32 v2, v6;
	v2 =	vsel vm0, $0x3F800000, v0;
	vm0 =	vlt.f32 v15, $0.0e+00  }
0x45: {  	s14 =	simm.s32 $0xFB0;
	v2 =	vadd.f32 v2, v11;
	v4 =	vmin.f32 v14, $0.0e+00;
	v9 =	vsel vm0, $0x3F800000, v0  }
0x46: {  	v10 =	vld [tilespmem:s14+$0xFFFFFFD0];
	vm0 =	vlt.f32 v3, $0.0e+00;
	v5 =	vadd.f32 v4, v5;
	v4 =	vmin.f32 v15, $0.0e+00  }
0x47: {  	v12 =	vld [tilespmem:s14+$0x0];
	v11 =	vsel vm0, $0x3F800000, v0;
	vm0 =	vlt.f32 v14, $0.0e+00;
	v6 =	vadd.f32 v4, v8  }
0x48: {  	v8 =	vmin.f32 v7, $0.0e+00;
	v4 =	vadd.f32 v11, v17;
	v13 =	vsel vm0, $0x3F800000, v0;
	v11 =	vld [tilespmem:s14+$0xFFFFFFF0]  }
0x49: {  	vm1 =	vlt.f32 v7, $0.0e+00;
	v7 =	vadd.f32 v8, v18;
	v8 =	vadd.f32 v13, v19;
	v13 =	vld [tilespmem:s14+$0xFFFFFFE0]  }
0x4a: {  	v3 =	vmin.f32 v3, $0.0e+00  }
0x4b: {  	v3 =	vadd.f32 v3, v16;
	vm0 =	vlt.f32 v10, $0.0e+00  }
0x4c: {  	s0 =	simm.s32 $0xF8;
	v15 =	vsel vm1, $0x3F800000, v0;
	v14 =	vsel vm0, $0x3F800000, v0;
	vm0 =	vlt.f32 v12, $0.0e+00;
	s14 =	simm.s32 $0xFF0  }
.LBB2_4:
0x4d: {  	v16 =	vld [tilespmem:s14+$0xFFFFFFD0];
	s0 =	sadd.s32 $0x4, s0;
	v17 =	vmin.f32 v12, $0.0e+00;
	v1 =	vadd.f32 v9, v1;
	v2 =	vadd.f32 v15, v2;
	v15 =	vmovc v11;
	v9 =	vmovc v14  }
0x4e: {  	v12 =	vld [tilespmem:s14+$0x0];
	p1 =	slt.u32 s0, $0x1E4;
	v14 =	vmin.f32 v13, $0.0e+00;
	vm1 =	vlt.f32 v13, $0.0e+00;
	v5 =	vadd.f32 v17, v5  }
.Ltmp1:
0x4f: {  	v10 =	vmin.f32 v10, $0.0e+00;
	v11 =	vld [tilespmem:s14+$0xFFFFFFF0];
	v3 =	vadd.f32 v14, v3;
	v14 =	vsel vm1, $0x3F800000, v0;
	(pc) =	sbr.rel @p1 .LBB2_4-.Ltmp1, $4  }
0x50: {  	v6 =	vadd.f32 v10, v6;
	v13 =	vld [tilespmem:s14+$0xFFFFFFE0];
	v4 =	vadd.f32 v14, v4  }
0x51: {  	v17 =	vmin.f32 v15, $0.0e+00;
	vm1 =	vlt.f32 v15, $0.0e+00;
	v14 =	vsel vm0, $0x3F800000, v0  }
0x52: {  	v7 =	vadd.f32 v17, v7;
	v8 =	vadd.f32 v14, v8;
	vm0 =	vlt.f32 v16, $0.0e+00;
	v10 =	vmovc v16  }
0x53: {  	s14 =	sadd.s32 $0x40, s14;
	v15 =	vsel vm1, $0x3F800000, v0;
	v14 =	vsel vm0, $0x3F800000, v0;
	vm0 =	vlt.f32 v12, $0.0e+00  }
0x54: {  	_ =	swait.ge [sflag:s23], $0xF40  }
0x55: {  	[sflag:s23] =	ssyncset.done $0x0  }
0x56: {  	s0 =	simm.s32 $0x1EB0;
	[sflag:s23] =	ssyncadd.s32 $0xFFFFF0C0  }
0x57: {  	v1 =	vadd.f32 v9, v1;
	v2 =	vadd.f32 v15, v2;
	v10 =	vmin.f32 v10, $0.0e+00;
	v15 =	vld [tilespmem:s0+$0xFFFFFFD0]  }
0x58: {  	v9 =	vmin.f32 v13, $0.0e+00;
	vm1 =	vlt.f32 v13, $0.0e+00;
	v6 =	vadd.f32 v10, v6;
	v13 =	vld [tilespmem:s0+$0x0]  }
0x59: {  	v10 =	vsel vm0, $0x3F800000, v0;
	v3 =	vadd.f32 v9, v3;
	v9 =	vsel vm1, $0x3F800000, v0;
	v16 =	vld [tilespmem:s0+$0xFFFFFFE0]  }
0x5a: {  	vm0 =	vlt.f32 v11, $0.0e+00;
	v4 =	vadd.f32 v9, v4;
	v9 =	vmin.f32 v11, $0.0e+00;
	v11 =	vld [tilespmem:s0+$0xFFFFFFF0]  }
0x5b: {  	v12 =	vmin.f32 v12, $0.0e+00  }
0x5c: {  	v5 =	vadd.f32 v12, v5;
	v8 =	vadd.f32 v10, v8  }
0x5d: {  	v1 =	vadd.f32 v14, v1;
	v7 =	vadd.f32 v9, v7;
	v9 =	vsel vm0, $0x3F800000, v0  }
0x5e: {  	s14 =	simm.s32 $0x1EF0;
	v2 =	vadd.f32 v9, v2;
	vm0 =	vlt.f32 v15, $0.0e+00;
	v14 =	vmin.f32 v13, $0.0e+00  }
0x5f: {  	v10 =	vld [tilespmem:s14+$0xFFFFFFD0];
	vm1 =	vlt.f32 v11, $0.0e+00;
	v9 =	vsel vm0, $0x3F800000, v0;
	vm0 =	vlt.f32 v16, $0.0e+00  }
0x60: {  	v12 =	vld [tilespmem:s14+$0x0];
	v16 =	vmin.f32 v16, $0.0e+00;
	v5 =	vadd.f32 v14, v5;
	v14 =	vmin.f32 v15, $0.0e+00  }
0x61: {  	v15 =	vsel vm0, $0x3F800000, v0;
	vm0 =	vlt.f32 v13, $0.0e+00;
	v13 =	vmin.f32 v11, $0.0e+00;
	v11 =	vld [tilespmem:s14+$0xFFFFFFF0]  }
0x62: {  	v3 =	vadd.f32 v16, v3;
	v7 =	vadd.f32 v13, v7;
	v13 =	vld [tilespmem:s14+$0xFFFFFFE0]  }
0x63: {  	v6 =	vadd.f32 v14, v6;
	v4 =	vadd.f32 v15, v4  }
0x64: {  	v14 =	vsel vm0, $0x3F800000, v0;
	vm0 =	vlt.f32 v10, $0.0e+00;
	v15 =	vsel vm1, $0x3F800000, v0  }
0x65: {  	s0 =	simm.s32 $0x1EC;
	s14 =	simm.s32 $0x1F30;
	v8 =	vadd.f32 v14, v8;
	v14 =	vsel vm0, $0x3F800000, v0;
	vm0 =	vlt.f32 v12, $0.0e+00  }
.LBB2_6:
0x66: {  	v16 =	vld [tilespmem:s14+$0xFFFFFFD0];
	s0 =	sadd.s32 $0x4, s0;
	v17 =	vmin.f32 v12, $0.0e+00;
	v1 =	vadd.f32 v9, v1;
	v2 =	vadd.f32 v15, v2;
	v15 =	vmovc v11;
	v9 =	vmovc v14  }
0x67: {  	v12 =	vld [tilespmem:s14+$0x0];
	p1 =	slt.u32 s0, $0x2D8;
	v14 =	vmin.f32 v13, $0.0e+00;
	vm1 =	vlt.f32 v13, $0.0e+00;
	v5 =	vadd.f32 v17, v5  }
.Ltmp2:
0x68: {  	v10 =	vmin.f32 v10, $0.0e+00;
	v11 =	vld [tilespmem:s14+$0xFFFFFFF0];
	v3 =	vadd.f32 v14, v3;
	v14 =	vsel vm1, $0x3F800000, v0;
	(pc) =	sbr.rel @p1 .LBB2_6-.Ltmp2, $4  }
0x69: {  	v6 =	vadd.f32 v10, v6;
	v13 =	vld [tilespmem:s14+$0xFFFFFFE0];
	v4 =	vadd.f32 v14, v4  }
0x6a: {  	v17 =	vmin.f32 v15, $0.0e+00;
	vm1 =	vlt.f32 v15, $0.0e+00;
	v14 =	vsel vm0, $0x3F800000, v0  }
0x6b: {  	v7 =	vadd.f32 v17, v7;
	v8 =	vadd.f32 v14, v8;
	vm0 =	vlt.f32 v16, $0.0e+00;
	v10 =	vmovc v16  }
0x6c: {  	s14 =	sadd.s32 $0x40, s14;
	v15 =	vsel vm1, $0x3F800000, v0;
	v14 =	vsel vm0, $0x3F800000, v0;
	vm0 =	vlt.f32 v12, $0.0e+00  }
0x6d: {  	_ =	swait.ge [sflag:s24], $0xF40  }
0x6e: {  	[sflag:s24] =	ssyncset.done $0x0  }
0x6f: {  	s0 =	simm.s32 $0x2DF0;
	[sflag:s24] =	ssyncadd.s32 $0xFFFFF0C0  }
0x70: {  	v1 =	vadd.f32 v9, v1;
	v2 =	vadd.f32 v15, v2;
	v10 =	vmin.f32 v10, $0.0e+00;
	v15 =	vld [tilespmem:s0+$0xFFFFFFD0]  }
0x71: {  	v9 =	vmin.f32 v13, $0.0e+00;
	vm1 =	vlt.f32 v13, $0.0e+00;
	v6 =	vadd.f32 v10, v6;
	v13 =	vld [tilespmem:s0+$0x0]  }
0x72: {  	v10 =	vsel vm0, $0x3F800000, v0;
	v3 =	vadd.f32 v9, v3;
	v9 =	vsel vm1, $0x3F800000, v0;
	v16 =	vld [tilespmem:s0+$0xFFFFFFE0]  }
0x73: {  	vm0 =	vlt.f32 v11, $0.0e+00;
	v4 =	vadd.f32 v9, v4;
	v9 =	vmin.f32 v11, $0.0e+00;
	v11 =	vld [tilespmem:s0+$0xFFFFFFF0]  }
0x74: {  	v12 =	vmin.f32 v12, $0.0e+00  }
0x75: {  	v5 =	vadd.f32 v12, v5;
	v8 =	vadd.f32 v10, v8  }
0x76: {  	v1 =	vadd.f32 v14, v1;
	v7 =	vadd.f32 v9, v7;
	v9 =	vsel vm0, $0x3F800000, v0  }
0x77: {  	s14 =	simm.s32 $0x2E30;
	v2 =	vadd.f32 v9, v2;
	vm0 =	vlt.f32 v15, $0.0e+00;
	v14 =	vmin.f32 v13, $0.0e+00  }
0x78: {  	v10 =	vld [tilespmem:s14+$0xFFFFFFD0];
	vm1 =	vlt.f32 v11, $0.0e+00;
	v9 =	vsel vm0, $0x3F800000, v0;
	vm0 =	vlt.f32 v16, $0.0e+00  }
0x79: {  	v12 =	vld [tilespmem:s14+$0x0];
	v16 =	vmin.f32 v16, $0.0e+00;
	v5 =	vadd.f32 v14, v5;
	v14 =	vmin.f32 v15, $0.0e+00  }
0x7a: {  	v15 =	vsel vm0, $0x3F800000, v0;
	vm0 =	vlt.f32 v13, $0.0e+00;
	v13 =	vmin.f32 v11, $0.0e+00;
	v11 =	vld [tilespmem:s14+$0xFFFFFFF0]  }
0x7b: {  	v3 =	vadd.f32 v16, v3;
	v7 =	vadd.f32 v13, v7;
	v13 =	vld [tilespmem:s14+$0xFFFFFFE0]  }
0x7c: {  	v6 =	vadd.f32 v14, v6;
	v4 =	vadd.f32 v15, v4  }
0x7d: {  	v14 =	vsel vm0, $0x3F800000, v0;
	vm0 =	vlt.f32 v10, $0.0e+00;
	v15 =	vsel vm1, $0x3F800000, v0  }
0x7e: {  	s0 =	simm.s32 $0x2E0;
	s14 =	simm.s32 $0x2E70;
	v8 =	vadd.f32 v14, v8;
	v14 =	vsel vm0, $0x3F800000, v0;
	vm0 =	vlt.f32 v12, $0.0e+00  }
.LBB2_8:
0x7f: {  	v16 =	vld [tilespmem:s14+$0xFFFFFFD0];
	s0 =	sadd.s32 $0x4, s0;
	v17 =	vmin.f32 v12, $0.0e+00;
	v1 =	vadd.f32 v9, v1;
	v2 =	vadd.f32 v15, v2;
	v15 =	vmovc v11;
	v9 =	vmovc v14  }
0x80: {  	v12 =	vld [tilespmem:s14+$0x0];
	p1 =	slt.u32 s0, $0x3CC;
	v14 =	vmin.f32 v13, $0.0e+00;
	vm1 =	vlt.f32 v13, $0.0e+00;
	v5 =	vadd.f32 v17, v5  }
.Ltmp3:
0x81: {  	v10 =	vmin.f32 v10, $0.0e+00;
	v11 =	vld [tilespmem:s14+$0xFFFFFFF0];
	v3 =	vadd.f32 v14, v3;
	v14 =	vsel vm1, $0x3F800000, v0;
	(pc) =	sbr.rel @p1 .LBB2_8-.Ltmp3, $4  }
0x82: {  	v6 =	vadd.f32 v10, v6;
	v13 =	vld [tilespmem:s14+$0xFFFFFFE0];
	v4 =	vadd.f32 v14, v4  }
0x83: {  	v17 =	vmin.f32 v15, $0.0e+00;
	vm1 =	vlt.f32 v15, $0.0e+00;
	v14 =	vsel vm0, $0x3F800000, v0  }
0x84: {  	v7 =	vadd.f32 v17, v7;
	v8 =	vadd.f32 v14, v8;
	vm0 =	vlt.f32 v16, $0.0e+00;
	v10 =	vmovc v16  }
0x85: {  	s14 =	sadd.s32 $0x40, s14;
	v15 =	vsel vm1, $0x3F800000, v0;
	v14 =	vsel vm0, $0x3F800000, v0;
	vm0 =	vlt.f32 v12, $0.0e+00  }
0x86: {  	_ =	swait.ge [sflag:s25], $0xF40  }
0x87: {  	[sflag:s25] =	ssyncset.done $0x0  }
0x88: {  	s0 =	simm.s32 $0x3D30;
	[sflag:s25] =	ssyncadd.s32 $0xFFFFF0C0  }
0x89: {  	v1 =	vadd.f32 v9, v1;
	v2 =	vadd.f32 v15, v2;
	v10 =	vmin.f32 v10, $0.0e+00;
	v15 =	vld [tilespmem:s0+$0xFFFFFFD0]  }
0x8a: {  	v9 =	vmin.f32 v13, $0.0e+00;
	vm1 =	vlt.f32 v13, $0.0e+00;
	v6 =	vadd.f32 v10, v6;
	v13 =	vld [tilespmem:s0+$0x0]  }
0x8b: {  	v10 =	vsel vm0, $0x3F800000, v0;
	v3 =	vadd.f32 v9, v3;
	v9 =	vsel vm1, $0x3F800000, v0;
	v16 =	vld [tilespmem:s0+$0xFFFFFFE0]  }
0x8c: {  	vm0 =	vlt.f32 v11, $0.0e+00;
	v4 =	vadd.f32 v9, v4;
	v9 =	vmin.f32 v11, $0.0e+00;
	v11 =	vld [tilespmem:s0+$0xFFFFFFF0]  }
0x8d: {  	v12 =	vmin.f32 v12, $0.0e+00  }
0x8e: {  	v5 =	vadd.f32 v12, v5;
	v8 =	vadd.f32 v10, v8  }
0x8f: {  	v1 =	vadd.f32 v14, v1;
	v7 =	vadd.f32 v9, v7;
	v9 =	vsel vm0, $0x3F800000, v0  }
0x90: {  	s14 =	simm.s32 $0x3D70;
	v2 =	vadd.f32 v9, v2;
	vm0 =	vlt.f32 v15, $0.0e+00;
	v14 =	vmin.f32 v13, $0.0e+00  }
0x91: {  	v10 =	vld [tilespmem:s14+$0xFFFFFFD0];
	vm1 =	vlt.f32 v11, $0.0e+00;
	v9 =	vsel vm0, $0x3F800000, v0;
	vm0 =	vlt.f32 v16, $0.0e+00  }
0x92: {  	v12 =	vld [tilespmem:s14+$0x0];
	v16 =	vmin.f32 v16, $0.0e+00;
	v5 =	vadd.f32 v14, v5;
	v14 =	vmin.f32 v15, $0.0e+00  }
0x93: {  	v15 =	vsel vm0, $0x3F800000, v0;
	vm0 =	vlt.f32 v13, $0.0e+00;
	v13 =	vmin.f32 v11, $0.0e+00;
	v11 =	vld [tilespmem:s14+$0xFFFFFFF0]  }
0x94: {  	v3 =	vadd.f32 v16, v3;
	v7 =	vadd.f32 v13, v7;
	v13 =	vld [tilespmem:s14+$0xFFFFFFE0]  }
0x95: {  	v6 =	vadd.f32 v14, v6;
	v4 =	vadd.f32 v15, v4  }
0x96: {  	v14 =	vsel vm0, $0x3F800000, v0;
	vm0 =	vlt.f32 v10, $0.0e+00;
	v15 =	vsel vm1, $0x3F800000, v0  }
0x97: {  	s0 =	simm.s32 $0x3D4;
	s14 =	simm.s32 $0x3DB0;
	v8 =	vadd.f32 v14, v8;
	v14 =	vsel vm0, $0x3F800000, v0;
	vm0 =	vlt.f32 v12, $0.0e+00  }
.LBB2_10:
0x98: {  	v16 =	vld [tilespmem:s14+$0xFFFFFFD0];
	s0 =	sadd.s32 $0x4, s0;
	v17 =	vmin.f32 v12, $0.0e+00;
	v1 =	vadd.f32 v9, v1;
	v2 =	vadd.f32 v15, v2;
	v15 =	vmovc v11;
	v9 =	vmovc v14  }
0x99: {  	v12 =	vld [tilespmem:s14+$0x0];
	p1 =	slt.u32 s0, $0x4C0;
	v14 =	vmin.f32 v13, $0.0e+00;
	vm1 =	vlt.f32 v13, $0.0e+00;
	v5 =	vadd.f32 v17, v5  }
.Ltmp4:
0x9a: {  	v10 =	vmin.f32 v10, $0.0e+00;
	v11 =	vld [tilespmem:s14+$0xFFFFFFF0];
	v3 =	vadd.f32 v14, v3;
	v14 =	vsel vm1, $0x3F800000, v0;
	(pc) =	sbr.rel @p1 .LBB2_10-.Ltmp4, $4  }
0x9b: {  	v6 =	vadd.f32 v10, v6;
	v13 =	vld [tilespmem:s14+$0xFFFFFFE0];
	v4 =	vadd.f32 v14, v4  }
0x9c: {  	v17 =	vmin.f32 v15, $0.0e+00;
	vm1 =	vlt.f32 v15, $0.0e+00;
	v14 =	vsel vm0, $0x3F800000, v0  }
0x9d: {  	v7 =	vadd.f32 v17, v7;
	v8 =	vadd.f32 v14, v8;
	vm0 =	vlt.f32 v16, $0.0e+00;
	v10 =	vmovc v16  }
0x9e: {  	s14 =	sadd.s32 $0x40, s14;
	v15 =	vsel vm1, $0x3F800000, v0;
	v14 =	vsel vm0, $0x3F800000, v0;
	vm0 =	vlt.f32 v12, $0.0e+00  }
0x9f: {  	_ =	swait.ge [sflag:s26], $0xF40  }
0xa0: {  	[sflag:s26] =	ssyncset.done $0x0  }
0xa1: {  	s0 =	simm.s32 $0x4C70;
	[sflag:s26] =	ssyncadd.s32 $0xFFFFF0C0  }
0xa2: {  	v1 =	vadd.f32 v9, v1;
	v2 =	vadd.f32 v15, v2;
	v10 =	vmin.f32 v10, $0.0e+00;
	v15 =	vld [tilespmem:s0+$0xFFFFFFD0]  }
0xa3: {  	v9 =	vmin.f32 v13, $0.0e+00;
	vm1 =	vlt.f32 v13, $0.0e+00;
	v6 =	vadd.f32 v10, v6;
	v13 =	vld [tilespmem:s0+$0x0]  }
0xa4: {  	v10 =	vsel vm0, $0x3F800000, v0;
	v3 =	vadd.f32 v9, v3;
	v9 =	vsel vm1, $0x3F800000, v0;
	v16 =	vld [tilespmem:s0+$0xFFFFFFE0]  }
0xa5: {  	vm0 =	vlt.f32 v11, $0.0e+00;
	v4 =	vadd.f32 v9, v4;
	v9 =	vmin.f32 v11, $0.0e+00;
	v11 =	vld [tilespmem:s0+$0xFFFFFFF0]  }
0xa6: {  	v12 =	vmin.f32 v12, $0.0e+00  }
0xa7: {  	v5 =	vadd.f32 v12, v5;
	v8 =	vadd.f32 v10, v8  }
0xa8: {  	v1 =	vadd.f32 v14, v1;
	v7 =	vadd.f32 v9, v7;
	v9 =	vsel vm0, $0x3F800000, v0  }
0xa9: {  	s14 =	simm.s32 $0x4CB0;
	v2 =	vadd.f32 v9, v2;
	vm0 =	vlt.f32 v15, $0.0e+00;
	v14 =	vmin.f32 v13, $0.0e+00  }
0xaa: {  	v10 =	vld [tilespmem:s14+$0xFFFFFFD0];
	vm1 =	vlt.f32 v11, $0.0e+00;
	v9 =	vsel vm0, $0x3F800000, v0;
	vm0 =	vlt.f32 v16, $0.0e+00  }
0xab: {  	v12 =	vld [tilespmem:s14+$0x0];
	v16 =	vmin.f32 v16, $0.0e+00;
	v5 =	vadd.f32 v14, v5;
	v14 =	vmin.f32 v15, $0.0e+00  }
0xac: {  	v15 =	vsel vm0, $0x3F800000, v0;
	vm0 =	vlt.f32 v13, $0.0e+00;
	v13 =	vmin.f32 v11, $0.0e+00;
	v11 =	vld [tilespmem:s14+$0xFFFFFFF0]  }
0xad: {  	v3 =	vadd.f32 v16, v3;
	v7 =	vadd.f32 v13, v7;
	v13 =	vld [tilespmem:s14+$0xFFFFFFE0]  }
0xae: {  	v6 =	vadd.f32 v14, v6;
	v4 =	vadd.f32 v15, v4  }
0xaf: {  	v14 =	vsel vm0, $0x3F800000, v0;
	vm0 =	vlt.f32 v10, $0.0e+00;
	v15 =	vsel vm1, $0x3F800000, v0  }
0xb0: {  	s0 =	simm.s32 $0x4C8;
	s14 =	simm.s32 $0x4CF0;
	v8 =	vadd.f32 v14, v8;
	v14 =	vsel vm0, $0x3F800000, v0;
	vm0 =	vlt.f32 v12, $0.0e+00  }
.LBB2_12:
0xb1: {  	v16 =	vld [tilespmem:s14+$0xFFFFFFD0];
	s0 =	sadd.s32 $0x4, s0;
	v17 =	vmin.f32 v12, $0.0e+00;
	v1 =	vadd.f32 v9, v1;
	v2 =	vadd.f32 v15, v2;
	v15 =	vmovc v11;
	v9 =	vmovc v14  }
0xb2: {  	v12 =	vld [tilespmem:s14+$0x0];
	p1 =	slt.u32 s0, $0x5B4;
	v14 =	vmin.f32 v13, $0.0e+00;
	vm1 =	vlt.f32 v13, $0.0e+00;
	v5 =	vadd.f32 v17, v5  }
.Ltmp5:
0xb3: {  	v10 =	vmin.f32 v10, $0.0e+00;
	v11 =	vld [tilespmem:s14+$0xFFFFFFF0];
	v3 =	vadd.f32 v14, v3;
	v14 =	vsel vm1, $0x3F800000, v0;
	(pc) =	sbr.rel @p1 .LBB2_12-.Ltmp5, $4  }
0xb4: {  	v6 =	vadd.f32 v10, v6;
	v13 =	vld [tilespmem:s14+$0xFFFFFFE0];
	v4 =	vadd.f32 v14, v4  }
0xb5: {  	v17 =	vmin.f32 v15, $0.0e+00;
	vm1 =	vlt.f32 v15, $0.0e+00;
	v14 =	vsel vm0, $0x3F800000, v0  }
0xb6: {  	v7 =	vadd.f32 v17, v7;
	v8 =	vadd.f32 v14, v8;
	vm0 =	vlt.f32 v16, $0.0e+00;
	v10 =	vmovc v16  }
0xb7: {  	s14 =	sadd.s32 $0x40, s14;
	v15 =	vsel vm1, $0x3F800000, v0;
	v14 =	vsel vm0, $0x3F800000, v0;
	vm0 =	vlt.f32 v12, $0.0e+00  }
0xb8: {  	_ =	swait.ge [sflag:s28], $0xF40  }
0xb9: {  	[sflag:s28] =	ssyncset.done $0x0  }
0xba: {  	s0 =	simm.s32 $0x5BB0;
	[sflag:s28] =	ssyncadd.s32 $0xFFFFF0C0  }
0xbb: {  	v1 =	vadd.f32 v9, v1;
	v2 =	vadd.f32 v15, v2;
	v10 =	vmin.f32 v10, $0.0e+00;
	v15 =	vld [tilespmem:s0+$0xFFFFFFD0]  }
0xbc: {  	v9 =	vmin.f32 v13, $0.0e+00;
	vm1 =	vlt.f32 v13, $0.0e+00;
	v6 =	vadd.f32 v10, v6;
	v13 =	vld [tilespmem:s0+$0x0]  }
0xbd: {  	v10 =	vsel vm0, $0x3F800000, v0;
	v3 =	vadd.f32 v9, v3;
	v9 =	vsel vm1, $0x3F800000, v0;
	v16 =	vld [tilespmem:s0+$0xFFFFFFE0]  }
0xbe: {  	vm0 =	vlt.f32 v11, $0.0e+00;
	v4 =	vadd.f32 v9, v4;
	v9 =	vmin.f32 v11, $0.0e+00;
	v11 =	vld [tilespmem:s0+$0xFFFFFFF0]  }
0xbf: {  	v12 =	vmin.f32 v12, $0.0e+00  }
0xc0: {  	v5 =	vadd.f32 v12, v5;
	v8 =	vadd.f32 v10, v8  }
0xc1: {  	v1 =	vadd.f32 v14, v1;
	v7 =	vadd.f32 v9, v7;
	v9 =	vsel vm0, $0x3F800000, v0  }
0xc2: {  	s14 =	simm.s32 $0x5BF0;
	v2 =	vadd.f32 v9, v2;
	vm0 =	vlt.f32 v15, $0.0e+00;
	v14 =	vmin.f32 v13, $0.0e+00  }
0xc3: {  	v10 =	vld [tilespmem:s14+$0xFFFFFFD0];
	vm1 =	vlt.f32 v11, $0.0e+00;
	v9 =	vsel vm0, $0x3F800000, v0;
	vm0 =	vlt.f32 v16, $0.0e+00  }
0xc4: {  	v12 =	vld [tilespmem:s14+$0x0];
	v16 =	vmin.f32 v16, $0.0e+00;
	v5 =	vadd.f32 v14, v5;
	v14 =	vmin.f32 v15, $0.0e+00  }
0xc5: {  	v15 =	vsel vm0, $0x3F800000, v0;
	vm0 =	vlt.f32 v13, $0.0e+00;
	v13 =	vmin.f32 v11, $0.0e+00;
	v11 =	vld [tilespmem:s14+$0xFFFFFFF0]  }
0xc6: {  	v3 =	vadd.f32 v16, v3;
	v7 =	vadd.f32 v13, v7;
	v13 =	vld [tilespmem:s14+$0xFFFFFFE0]  }
0xc7: {  	v6 =	vadd.f32 v14, v6;
	v4 =	vadd.f32 v15, v4  }
0xc8: {  	v14 =	vsel vm0, $0x3F800000, v0;
	vm0 =	vlt.f32 v10, $0.0e+00;
	v15 =	vsel vm1, $0x3F800000, v0  }
0xc9: {  	s0 =	simm.s32 $0x5BC;
	s14 =	simm.s32 $0x5C30;
	v8 =	vadd.f32 v14, v8;
	v14 =	vsel vm0, $0x3F800000, v0;
	vm0 =	vlt.f32 v12, $0.0e+00  }
.LBB2_14:
0xca: {  	v16 =	vld [tilespmem:s14+$0xFFFFFFD0];
	s0 =	sadd.s32 $0x4, s0;
	v17 =	vmin.f32 v12, $0.0e+00;
	v1 =	vadd.f32 v9, v1;
	v2 =	vadd.f32 v15, v2;
	v15 =	vmovc v11;
	v9 =	vmovc v14  }
0xcb: {  	v12 =	vld [tilespmem:s14+$0x0];
	p1 =	slt.u32 s0, $0x6A8;
	v14 =	vmin.f32 v13, $0.0e+00;
	vm1 =	vlt.f32 v13, $0.0e+00;
	v5 =	vadd.f32 v17, v5  }
.Ltmp6:
0xcc: {  	v10 =	vmin.f32 v10, $0.0e+00;
	v11 =	vld [tilespmem:s14+$0xFFFFFFF0];
	v3 =	vadd.f32 v14, v3;
	v14 =	vsel vm1, $0x3F800000, v0;
	(pc) =	sbr.rel @p1 .LBB2_14-.Ltmp6, $4  }
0xcd: {  	v6 =	vadd.f32 v10, v6;
	v13 =	vld [tilespmem:s14+$0xFFFFFFE0];
	v4 =	vadd.f32 v14, v4  }
0xce: {  	v17 =	vmin.f32 v15, $0.0e+00;
	vm1 =	vlt.f32 v15, $0.0e+00;
	v14 =	vsel vm0, $0x3F800000, v0  }
0xcf: {  	v7 =	vadd.f32 v17, v7;
	v8 =	vadd.f32 v14, v8;
	vm0 =	vlt.f32 v16, $0.0e+00;
	v10 =	vmovc v16  }
0xd0: {  	s14 =	sadd.s32 $0x40, s14;
	v15 =	vsel vm1, $0x3F800000, v0;
	v14 =	vsel vm0, $0x3F800000, v0;
	vm0 =	vlt.f32 v12, $0.0e+00  }
0xd1: {  	_ =	swait.ge [sflag:s29], $0xF50  }
0xd2: {  	[sflag:s29] =	ssyncset.done $0x0  }
0xd3: {  	s0 =	simm.s32 @!p0 $0x9;
	[sflag:s29] =	ssyncadd.s32 $0xFFFFF0B0  }
0xd4: {  	_ =	swait.ge @!p0 [sflag:s0], $0x10  }
0xd5: {  	[sflag:s0] =	ssyncset.done @!p0 $0x0  }
0xd6: {  	s14 =	simm.s32 $0x6AF0;
	[sflag:s0] =	ssyncadd.s32 @!p0 $0xFFFFFFF0  }
0xd7: {  	v12 =	vmin.f32 v12, $0.0e+00;
	v1 =	vadd.f32 v9, v1;
	v2 =	vadd.f32 v15, v2;
	v15 =	vld [tilespmem:s14+$0xFFFFFFD0]  }
0xd8: {  	v9 =	vmin.f32 v13, $0.0e+00;
	vm1 =	vlt.f32 v13, $0.0e+00;
	v12 =	vadd.f32 v12, v5;
	v13 =	vld [tilespmem:s14+$0x0]  }
0xd9: {  	v5 =	vmin.f32 v10, $0.0e+00;
	v9 =	vadd.f32 v9, v3;
	v3 =	vsel vm1, $0x3F800000, v0;
	v16 =	vld [tilespmem:s14+$0xFFFFFFE0]  }
0xda: {  	v6 =	vadd.f32 v5, v6;
	v17 =	vadd.f32 v3, v4  }
0xdb: {  	v3 =	vmin.f32 v11, $0.0e+00;
	v4 =	vsel vm0, $0x3F800000, v0;
	vm0 =	vlt.f32 v11, $0.0e+00  }
0xdc: {  	v18 =	vadd.f32 v3, v7;
	v19 =	vadd.f32 v4, v8;
	v3 =	vsel vm0, $0x3F800000, v0;
	v8 =	vld [tilespmem:s14+$0xFFFFFFF0]  }
0xdd: {  	v2 =	vadd.f32 v3, v2;
	vm0 =	vlt.f32 v15, $0.0e+00;
	v3 =	vmin.f32 v13, $0.0e+00  }
0xde: {  	s14 =	simm.s32 $0x6B30;
	v4 =	vmin.f32 v16, $0.0e+00;
	v7 =	vmin.f32 v15, $0.0e+00;
	v5 =	vsel vm0, $0x3F800000, v0  }
0xdf: {  	v11 =	vld [tilespmem:s14+$0xFFFFFFD0];
	vm0 =	vlt.f32 v16, $0.0e+00;
	v3 =	vadd.f32 v3, v12;
	v4 =	vadd.f32 v4, v9  }
0xe0: {  	v10 =	vld [tilespmem:s14+$0x0];
	v6 =	vadd.f32 v7, v6;
	v9 =	vsel vm0, $0x3F800000, v0;
	vm0 =	vlt.f32 v13, $0.0e+00  }
0xe1: {  	v12 =	vld [tilespmem:s14+$0xFFFFFFF0];
	v7 =	vadd.f32 v9, v17;
	v9 =	vmin.f32 v8, $0.0e+00;
	v13 =	vsel vm0, $0x3F800000, v0  }
0xe2: {  	vm1 =	vlt.f32 v8, $0.0e+00;
	v8 =	vadd.f32 v9, v18;
	v9 =	vadd.f32 v13, v19;
	v13 =	vld [tilespmem:s14+$0xFFFFFFE0];
	_ =	sdelay $0x1  }
0xe3: {  	v1 =	vadd.f32 v14, v1;
	vm0 =	vlt.f32 v11, $0.0e+00  }
0xe4: {  	s0 =	simm.s32 $0x6B0;
	v15 =	vsel vm1, $0x3F800000, v0;
	v14 =	vsel vm0, $0x3F800000, v0;
	vm0 =	vlt.f32 v10, $0.0e+00;
	s14 =	simm.s32 $0x6B70  }
.LBB2_16:
0xe5: {  	v16 =	vld [tilespmem:s14+$0xFFFFFFD0];
	s0 =	sadd.s32 $0x4, s0;
	v17 =	vmin.f32 v10, $0.0e+00;
	v1 =	vadd.f32 v5, v1;
	v2 =	vadd.f32 v15, v2;
	v15 =	vmovc v12;
	v5 =	vmovc v14  }
0xe6: {  	v10 =	vld [tilespmem:s14+$0x0];
	p1 =	slt.u32 s0, $0x7A0;
	v14 =	vmin.f32 v13, $0.0e+00;
	vm1 =	vlt.f32 v13, $0.0e+00;
	v3 =	vadd.f32 v17, v3  }
.Ltmp7:
0xe7: {  	v11 =	vmin.f32 v11, $0.0e+00;
	v12 =	vld [tilespmem:s14+$0xFFFFFFF0];
	v4 =	vadd.f32 v14, v4;
	v14 =	vsel vm1, $0x3F800000, v0;
	(pc) =	sbr.rel @p1 .LBB2_16-.Ltmp7, $4  }
0xe8: {  	v6 =	vadd.f32 v11, v6;
	v13 =	vld [tilespmem:s14+$0xFFFFFFE0];
	v7 =	vadd.f32 v14, v7  }
0xe9: {  	v17 =	vmin.f32 v15, $0.0e+00;
	vm1 =	vlt.f32 v15, $0.0e+00;
	v14 =	vsel vm0, $0x3F800000, v0  }
0xea: {  	v8 =	vadd.f32 v17, v8;
	v9 =	vadd.f32 v14, v9;
	vm0 =	vlt.f32 v16, $0.0e+00;
	v11 =	vmovc v16  }
0xeb: {  	s14 =	sadd.s32 $0x40, s14;
	v15 =	vsel vm1, $0x3F800000, v0;
	v14 =	vsel vm0, $0x3F800000, v0;
	vm0 =	vlt.f32 v10, $0.0e+00  }
0xec: {  	v10 =	vmin.f32 v10, $0.0e+00;
	v1 =	vadd.f32 v5, v1  }
0xed: {  	v2 =	vadd.f32 v15, v2;
	v58 =	vmin.f32 v11, $0.0e+00;
	v60 =	vmin.f32 v12, $0.0e+00  }
0xee: {  	vm15 =	vlt.f32 v12, $0.0e+00;
	v61 =	vsel vm0, $0x3F800000, v0;
	v57 =	vmin.f32 v13, $0.0e+00  }
0xef: {  	vm1 =	vlt.f32 v13, $0.0e+00;
	v3 =	vadd.f32 v10, v3;
	v6 =	vadd.f32 v58, v6  }
0xf0: {  	v62 =	vadd.f32 v61, v9;
	v4 =	vadd.f32 v57, v4;
	v59 =	vsel vm1, $0x3F800000, v0  }
0xf1: {  	v63 =	vsel vm15, $0x3F800000, v0;
	v5 =	vadd.f32 v59, v7;
	v7 =	vadd.f32 v60, v8  }
0xf2: {  	v1 =	vadd.f32 v14, v1;
	v2 =	vadd.f32 v63, v2  }
0xf3: {  	v4 =	vadd.f32 v4, v6;
	v3 =	vadd.f32 v3, v7  }
0xf4: {  	v2 =	vadd.f32 v62, v2;
	v1 =	vadd.f32 v5, v1  }
0xf5: {  	v3 =	vadd.f32 v3, v4  }
0xf6: {  	s1 =	sadd.s32 $0x1, s1;
	v1 =	vadd.f32 v2, v1  }
0xf7: {  	p1 =	sne.s32 s1, s13;
	[tilespmem:$0x7A80] =	vst v3  }
.Ltmp8:
0xf8: {  	[tilespmem:$0x7A90] =	vst v1;
	(pc) =	sbr.rel @p1 .LBB2_1-.Ltmp8, $4  }
0xf9: {  	[hbm4b:s12+s2] =	stream.linear.scatter [tilespmem:s30], [sflag:$0xA], $0x80, $0x38;
	[tilespmem:$0x7B00] =	vst v63  }
0xfa: {  	_ =	swait.ge [sflag:s31], $0x80  }
0xfb: {  	[sflag:s31] =	ssyncset.done $0x0  }
0xfc: {  	[sflag:s31] =	ssyncadd.s32 $0xFFFFFF80  }
0xfd: {  	_ =	sfence.sel $0x180000  }
0xfe: {  	[bflag:$0x0] =	sbarrier.arrive $0xFFFF  }
0xff: {  	_ =	strace $0x90000047  }
0x100: {  	s0 =	stileid.u32;
	[bflag:$0x2] =	sbarrier.arrive $0xFFFF  }
0x101: {  	p0 =	sne.s32 s0, $0x0;
	s0 =	rddreg [dreg:$0x2]  }
0x102: {  	s0 =	sadd.s32 @!p0 $0x100000, s0  }
0x103: {  	[sflag:s0] =	ssyncadd.tile.s32 @!p0 $0x1;
	_ =	shalt  }
.Lfunc_end2:
_tile_overlayer_lowered:
.L_overlay_start_2:
0x104: {  	(tag) =	ssettag $0x2  }
0x105: {  	s0 =	rddreg [dreg:$0x0];
	s2 =	stileid.u32  }
0x106: {  	s1 =	rddreg [dreg:$0x1];
	p0 =	sne.s32 s2, $0x0  }
0x107: {  	s3 =	rddreg [dreg:$0x2];
	[bflag:$0x3] =	sbarrier.arrive $0xFFFF;
	s2 =	simm.s32 @!p0 $0x1C0A  }
0x108: {  	[timem:s3], [sflag:s2] =	dma.local @!p0 [hbm:s0], s1  }
0x109: {  	s0 =	simm.s32 @!p0 $0xA  }
0x10a: {  	_ =	swait.ge @!p0 [sflag:s0], s1  }
0x10b: {  	s1 =	ssub.s32 @!p0 $0x0, s1;
	[sflag:s0] =	ssyncset.done @!p0 $0x0  }
0x10c: {  	[sflag:s0] =	ssyncadd.s32 @!p0 s1  }
0x10d: {  	[bflag:$0x3] =	sbarrier.arrive $0xFFFF  }
0x10e: {  	_ =	shalt  }

</sc_bundles>
